<compile_context>
chip_gen: v7x
topology: tpu7x:2x2x1
jax: 0.10.2.dev20260603
libtpu: 0.0.44.dev20260713+nightly
codegen_flags: <defaults>
</compile_context>

<pallas_src>
import functools

import jax
import jax.numpy as jnp
from jax import lax
from jax.experimental import pallas as pl
from jax.experimental.pallas import tpu as pltpu
from jax.experimental.pallas import tpu_sc as plsc

N = 10000
NPAD = 10240
E = 320000
D = 128

NC = 2
NS = 16
NW = NC * NS
EPW = E // NW
CH = 80
NCH = EPW // CH
SLAB = NPAD // NS

_mesh = functools.partial(
    plsc.VectorSubcoreMesh, core_axis_name="c", subcore_axis_name="s")


def _sc_deg_body(edge3, z1_hbm, out_hbm, acc, idxv, onesv, tmp):
  c = lax.axis_index("c")
  s = lax.axis_index("s")
  wid = s * NC + c
  pltpu.sync_copy(z1_hbm.at[pl.ds(s * SLAB, SLAB)],
                  acc.at[pl.ds(s * SLAB, SLAB)])
  for k in range(CH // 16):
    onesv[0, pl.ds(k * 16, 16)] = jnp.ones((16,), jnp.float32)
  plsc.subcore_barrier()

  @pl.loop(0, NCH)
  def _(i):
    cb = wid * NCH + i
    pltpu.sync_copy(edge3.at[1, cb], idxv.at[0])
    pltpu.sync_copy(onesv.at[0], acc.at[idxv.at[0]], add=True)

  plsc.subcore_barrier()
  pltpu.sync_copy(acc.at[pl.ds(s * SLAB, SLAB)], tmp)
  pltpu.sync_copy(tmp, out_hbm.at[c, pl.ds(s * SLAB, SLAB)])


def _sc_deg(edge3, z1):
  return pl.kernel(
      _sc_deg_body,
      out_type=jax.ShapeDtypeStruct((NC, NPAD), jnp.float32),
      mesh=_mesh(),
      scratch_types=[
          pltpu.VMEM_SHARED((NPAD,), jnp.float32),
          pltpu.VMEM((2, CH), jnp.int32),
          pltpu.VMEM((1, CH), jnp.float32),
          pltpu.VMEM((SLAB,), jnp.float32),
      ],
  )(edge3, z1)


def _sc_agg_body(edge3, p_hbm, z2_hbm, out_hbm, acc, idxv, rows, tmp):
  c = lax.axis_index("c")
  s = lax.axis_index("s")
  wid = s * NC + c
  pltpu.sync_copy(z2_hbm.at[pl.ds(s * SLAB, SLAB)],
                  acc.at[pl.ds(s * SLAB, SLAB)])
  plsc.subcore_barrier()

  @pl.loop(0, NCH)
  def _(i):
    cb = wid * NCH + i
    pltpu.sync_copy(edge3.at[0, cb], idxv.at[0])
    pltpu.sync_copy(edge3.at[1, cb], idxv.at[1])
    pltpu.sync_copy(p_hbm.at[idxv.at[0]], rows)
    pltpu.sync_copy(rows, acc.at[idxv.at[1]], add=True)

  plsc.subcore_barrier()

  @pl.loop(0, SLAB // CH)
  def _(k):
    r0 = s * SLAB + k * CH
    pltpu.sync_copy(acc.at[pl.ds(r0, CH)], tmp)
    pltpu.sync_copy(tmp, out_hbm.at[c, pl.ds(r0, CH)])


def _sc_agg(edge3, p, z2):
  return pl.kernel(
      _sc_agg_body,
      out_type=jax.ShapeDtypeStruct((NC, NPAD, D), jnp.float32),
      mesh=_mesh(),
      scratch_types=[
          pltpu.VMEM_SHARED((NPAD, D), jnp.float32),
          pltpu.VMEM((2, CH), jnp.int32),
          pltpu.VMEM((CH, D), jnp.float32),
          pltpu.VMEM((CH, D), jnp.float32),
      ],
  )(edge3, p, z2)


BR = 1000


def _dinv(degT):
  return lax.rsqrt(degT[:, 0:1] + degT[:, 1:2] + 1.0)


def _tc_pre_body(x_ref, degT_ref, p_ref):
  p_ref[...] = x_ref[...] * _dinv(degT_ref[...])


def _tc_pre(x, degT):
  return pl.pallas_call(
      _tc_pre_body,
      grid=(N // BR,),
      in_specs=[
          pl.BlockSpec((BR, D), lambda i: (i, 0)),
          pl.BlockSpec((BR, 2), lambda i: (i, 0)),
      ],
      out_specs=pl.BlockSpec((BR, D), lambda i: (i, 0)),
      out_shape=jax.ShapeDtypeStruct((N, D), jnp.float32),
  )(x, degT)


def _agg_block(parts_ref, h_ref, degT_ref):
  dinv = _dinv(degT_ref[...])
  s = parts_ref[0] + parts_ref[1]
  return dinv * s + (dinv * dinv) * h_ref[...], dinv


def _tc_layer_body(parts_ref, h_ref, degT_ref, w_ref, b_ref, g_ref, be_ref,
                   h1_ref, p1_ref):
  agg, dinv = _agg_block(parts_ref, h_ref, degT_ref)
  t = jnp.dot(agg, w_ref[...], preferred_element_type=jnp.float32) + b_ref[...]
  mu = jnp.mean(t, axis=-1, keepdims=True)
  var = jnp.mean(jnp.square(t - mu), axis=-1, keepdims=True)
  tn = (t - mu) * lax.rsqrt(var + 1e-5) * g_ref[...] + be_ref[...]
  h1 = jnp.maximum(tn, 0.0)
  h1_ref[...] = h1
  p1_ref[...] = dinv * h1


def _tc_layer(parts, h, degT, w, b, g, be):
  return pl.pallas_call(
      _tc_layer_body,
      grid=(N // BR,),
      in_specs=[
          pl.BlockSpec((NC, BR, D), lambda i: (0, i, 0)),
          pl.BlockSpec((BR, D), lambda i: (i, 0)),
          pl.BlockSpec((BR, 2), lambda i: (i, 0)),
          pl.BlockSpec((D, D), lambda i: (0, 0)),
          pl.BlockSpec((1, D), lambda i: (0, 0)),
          pl.BlockSpec((1, D), lambda i: (0, 0)),
          pl.BlockSpec((1, D), lambda i: (0, 0)),
      ],
      out_specs=[
          pl.BlockSpec((BR, D), lambda i: (i, 0)),
          pl.BlockSpec((BR, D), lambda i: (i, 0)),
      ],
      out_shape=[
          jax.ShapeDtypeStruct((N, D), jnp.float32),
          jax.ShapeDtypeStruct((N, D), jnp.float32),
      ],
  )(parts, h, degT, w, b, g, be)


DOUT = 40


def _tc_final_body(parts_ref, h_ref, degT_ref, w_ref, b_ref, o_ref):
  agg, _ = _agg_block(parts_ref, h_ref, degT_ref)
  t = jnp.dot(agg, w_ref[...], preferred_element_type=jnp.float32) + b_ref[...]
  m = jnp.max(t, axis=-1, keepdims=True)
  lse = jnp.log(jnp.sum(jnp.exp(t - m), axis=-1, keepdims=True)) + m
  o_ref[...] = t - lse


def _tc_final(parts, h, degT, w, b):
  return pl.pallas_call(
      _tc_final_body,
      grid=(N // BR,),
      in_specs=[
          pl.BlockSpec((NC, BR, D), lambda i: (0, i, 0)),
          pl.BlockSpec((BR, D), lambda i: (i, 0)),
          pl.BlockSpec((BR, 2), lambda i: (i, 0)),
          pl.BlockSpec((D, DOUT), lambda i: (0, 0)),
          pl.BlockSpec((1, DOUT), lambda i: (0, 0)),
      ],
      out_specs=pl.BlockSpec((BR, DOUT), lambda i: (i, 0)),
      out_shape=jax.ShapeDtypeStruct((N, DOUT), jnp.float32),
  )(parts, h, degT, w, b)


def kernel(x, edge_index, W0, b0, g0, be0, W1, b1, g1, be1, W2, b2):
  edge3 = edge_index.reshape(2, E // CH, CH)
  z1 = jnp.zeros((NPAD,), jnp.float32)
  z2 = jnp.zeros((NPAD, D), jnp.float32)

  deg_parts = _sc_deg(edge3, z1)
  degT = deg_parts[:, :N].T

  p0 = _tc_pre(x, degT)
  parts0 = _sc_agg(edge3, p0, z2)
  h1, p1 = _tc_layer(parts0, x, degT, W0, b0.reshape(1, D),
                     g0.reshape(1, D), be0.reshape(1, D))
  parts1 = _sc_agg(edge3, p1, z2)
  h2, p2 = _tc_layer(parts1, h1, degT, W1, b1.reshape(1, D),
                     g1.reshape(1, D), be1.reshape(1, D))
  parts2 = _sc_agg(edge3, p2, z2)
  return _tc_final(parts2, h2, degT, W2, b2.reshape(1, DOUT))

# --- scband reference (transcript-rebuilt; emitter-appended) ---
"""Pipeline reference for scband-gcn-1760936591397 (READ-ONLY COPY).

The authoritative reference and input builder live on the scoring server;
editing this copy changes nothing except your own understanding.
"""

import jax, jax.numpy as jnp
import numpy as np

N = 10000
E = 320000
D_IN = 128
D_HID = 128
D_OUT = 40


def setup_inputs(seed: int = 0) -> dict:
    key = jax.random.key(seed)
    ks = jax.random.split(key, 12)
    x = jax.random.normal(ks[0], (N, D_IN), dtype=jnp.float32)
    edge_index = jax.random.randint(ks[1], (2, E), 0, N, dtype=jnp.int32)
    # GCNConv 0: in -> hidden, with LayerNorm params
    W0 = jax.random.normal(ks[2], (D_IN, D_HID), dtype=jnp.float32) * (1.0 / np.sqrt(D_IN))
    b0 = jnp.zeros((D_HID,), dtype=jnp.float32)
    g0 = jnp.ones((D_HID,), dtype=jnp.float32)
    be0 = jnp.zeros((D_HID,), dtype=jnp.float32)
    # GCNConv 1: hidden -> hidden, with LayerNorm params
    W1 = jax.random.normal(ks[3], (D_HID, D_HID), dtype=jnp.float32) * (1.0 / np.sqrt(D_HID))
    b1 = jnp.zeros((D_HID,), dtype=jnp.float32)
    g1 = jnp.ones((D_HID,), dtype=jnp.float32)
    be1 = jnp.zeros((D_HID,), dtype=jnp.float32)
    # GCNConv 2: hidden -> out
    W2 = jax.random.normal(ks[4], (D_HID, D_OUT), dtype=jnp.float32) * (1.0 / np.sqrt(D_HID))
    b2 = jnp.zeros((D_OUT,), dtype=jnp.float32)
    return {"x": x, "edge_index": edge_index, "W0": W0, "b0": b0, "g0": g0, "be0": be0,
            "W1": W1, "b1": b1, "g1": g1, "be1": be1, "W2": W2, "b2": b2}


def _gcn_conv(h, src, dst, W, b):
    # GCNConv with added self-loops and symmetric D^-1/2 (A+I) D^-1/2 normalization
    n = h.shape[0]
    loop = jnp.arange(n, dtype=src.dtype)
    s = jnp.concatenate([src, loop])
    d = jnp.concatenate([dst, loop])
    deg = jnp.zeros((n,), dtype=h.dtype).at[d].add(1.0)
    dinv = jnp.where(deg > 0, 1.0 / jnp.sqrt(deg), 0.0)
    norm = dinv[s] * dinv[d]
    m = h @ W
    msg = m[s] * norm[:, None]
    out = jnp.zeros((n, W.shape[1]), dtype=h.dtype).at[d].add(msg)
    return out + b


def _layer_norm(h, g, b, eps=1e-5):
    mu = jnp.mean(h, axis=-1, keepdims=True)
    var = jnp.mean((h - mu) ** 2, axis=-1, keepdims=True)
    return (h - mu) / jnp.sqrt(var + eps) * g + b


def reference(x, edge_index, W0, b0, g0, be0, W1, b1, g1, be1, W2, b2):
    src = edge_index[0]
    dst = edge_index[1]
    # layer 0
    h = _gcn_conv(x, src, dst, W0, b0)
    h = _layer_norm(h, g0, be0)
    h = jax.nn.relu(h)
    # dropout is a no-op in eval mode
    # layer 1 (middle layer; use_residual=False)
    h = _gcn_conv(h, src, dst, W1, b1)
    h = _layer_norm(h, g1, be1)
    h = jax.nn.relu(h)
    # layer 2 (output conv, no norm)
    h = _gcn_conv(h, src, dst, W2, b2)
    return jax.nn.log_softmax(h, axis=1)

if __name__ == "__main__":
    import jax
    _d = setup_inputs()
    print(jax.jit(kernel)(*tuple(_d.values())))

</pallas_src>

<mosaic_0001>
#map = affine_map<(d0, d1) -> (0, 0, 0)>
#map1 = affine_map<(d0, d1) -> (0, 0)>
module attributes {stable_mosaic.version = 14 : i64} {
  func.func @_sc_agg_body(%arg0: i32, %arg1: i32, %arg2: memref<2x4000x80xi32, #tpu.memory_space<hbm>>, %arg3: memref<10000x128xf32, #tpu.memory_space<hbm>>, %arg4: memref<10240x128xf32, #tpu.memory_space<hbm>>, %arg5: memref<2x10240x128xf32, #tpu.memory_space<hbm>>, %arg6: memref<10240x128xf32, #tpu.memory_space<vmem_shared>>, %arg7: memref<2x80xi32, #tpu.memory_space<vmem>>, %arg8: memref<80x128xf32, #tpu.memory_space<vmem>>, %arg9: memref<80x128xf32, #tpu.memory_space<vmem>>) attributes {dimension_semantics = [#tpu.dimension_semantics<core_parallel>, #tpu.dimension_semantics<subcore_parallel>], iteration_bounds = array<i64: 2, 16>, scalar_prefetch = 0 : i64, scratch_operands = 4 : i64, tpu.core_type = #tpu.core_type<sc_vector_subcore>, window_params = [{transform_indices = #map}, {transform_indices = #map1}, {transform_indices = #map1}, {transform_indices = #map}]} {
    %mul3A = arith.constant 2 : i32
    %mul3A_0 = arith.muli %arg1, %mul3A : i32
    %add3A = arith.addi %mul3A_0, %arg0 : i32
    %mul3A_1 = arith.constant 640 : i32
    %mul3A_2 = arith.muli %arg1, %mul3A_1 : i32
    %mul3A_3 = arith.constant 640 : i32
    %mul3A_4 = arith.muli %arg1, %mul3A_3 : i32
    "tpu.region"() ({
      %run_scoped3A = tpu.sem_alloc : memref<!tpu.dma_semaphore, #tpu.memory_space<semaphore_mem>>
      %dma_start3A = arith.constant 0 : i32
      %dma_start3A_15 = tpu.memref_slice %arg6[%mul3A_4, %dma_start3A] : memref<10240x128xf32, #tpu.memory_space<vmem_shared>> -> memref<640x128xf32, #tpu.memory_space<vmem_shared>>
      %dma_start3A_16 = arith.constant 0 : i32
      %dma_start3A_17 = tpu.memref_slice %arg4[%mul3A_2, %dma_start3A_16] : memref<10240x128xf32, #tpu.memory_space<hbm>> -> memref<640x128xf32, #tpu.memory_space<hbm>>
      tpu.enqueue_dma source(%dma_start3A_17 : memref<640x128xf32, #tpu.memory_space<hbm>>) target(%dma_start3A_15 : memref<640x128xf32, #tpu.memory_space<vmem_shared>>) target_semaphore(%run_scoped3A : memref<!tpu.dma_semaphore, #tpu.memory_space<semaphore_mem>>)
      %dma_wait3A = arith.constant 0 : i32
      %dma_wait3A_18 = tpu.memref_slice %arg6[%mul3A_4, %dma_wait3A] : memref<10240x128xf32, #tpu.memory_space<vmem_shared>> -> memref<640x128xf32, #tpu.memory_space<vmem_shared>>
      %dma_wait3A_19 = arith.constant 0 : i32
      %dma_wait3A_20 = tpu.memref_slice %arg4[%mul3A_2, %dma_wait3A_19] : memref<10240x128xf32, #tpu.memory_space<hbm>> -> memref<640x128xf32, #tpu.memory_space<hbm>>
      tpu.wait_dma2 semaphore(%run_scoped3A : memref<!tpu.dma_semaphore, #tpu.memory_space<semaphore_mem>>) src(%dma_wait3A_20 : memref<640x128xf32, #tpu.memory_space<hbm>>) dst(%dma_wait3A_18 : memref<640x128xf32, #tpu.memory_space<vmem_shared>>)
      tpu.yield
    }) : () -> ()
    %barrier3A = arith.constant 0 : index
    tpu.barrier barrier_id(%barrier3A)
    %scan3A = arith.constant 0 : i32
    %scan3A_5 = arith.constant 125 : i32
    %scan3A_6 = arith.addi %scan3A, %scan3A_5 : i32
    %scan3A_7 = arith.constant 1 : i32
    scf.for %scan3A_15 = %scan3A to %scan3A_6 step %scan3A_7  : i32 {
      %mul3A_16 = arith.constant 1 : i32
      %mul3A_17 = arith.muli %scan3A_15, %mul3A_16 : i32
      %add3A_18 = arith.constant 0 : i32
      %add3A_19 = arith.addi %add3A_18, %mul3A_17 : i32
      %mul3A_20 = arith.constant 125 : i32
      %mul3A_21 = arith.muli %add3A, %mul3A_20 : i32
      %add3A_22 = arith.addi %mul3A_21, %add3A_19 : i32
      %run_scoped3A = arith.constant 0 : i32
      %run_scoped3A_23 = arith.constant 0 : i32
      "tpu.region"() ({
        %run_scoped3A_28 = tpu.sem_alloc : memref<!tpu.dma_semaphore, #tpu.memory_space<semaphore_mem>>
        %dma_start3A = arith.constant 0 : i32
        %dma_start3A_29 = tpu.memref_slice %arg7[%run_scoped3A_23, %dma_start3A] : memref<2x80xi32, #tpu.memory_space<vmem>> -> memref<1x80xi32, #tpu.memory_space<vmem>>
        %dma_start3A_30 = tpu.memref_squeeze %dma_start3A_29 : memref<1x80xi32, #tpu.memory_space<vmem>> -> memref<80xi32, #tpu.memory_space<vmem>>
        %dma_start3A_31 = arith.constant 0 : i32
        %dma_start3A_32 = tpu.memref_slice %arg2[%run_scoped3A, %add3A_22, %dma_start3A_31] : memref<2x4000x80xi32, #tpu.memory_space<hbm>> -> memref<1x1x80xi32, #tpu.memory_space<hbm>>
        %dma_start3A_33 = tpu.memref_squeeze %dma_start3A_32 : memref<1x1x80xi32, #tpu.memory_space<hbm>> -> memref<80xi32, #tpu.memory_space<hbm>>
        %dma_start3A_34 = arith.constant 0 : i32
        %dma_start3A_35 = tpu.memref_slice %arg7[%run_scoped3A_23, %dma_start3A_34] : memref<2x80xi32, #tpu.memory_space<vmem>> -> memref<1x80xi32, #tpu.memory_space<vmem>>
        %dma_start3A_36 = tpu.memref_squeeze %dma_start3A_35 : memref<1x80xi32, #tpu.memory_space<vmem>> -> memref<80xi32, #tpu.memory_space<vmem>>
        %dma_start3A_37 = arith.constant 0 : i32
        %dma_start3A_38 = tpu.memref_slice %arg2[%run_scoped3A, %add3A_22, %dma_start3A_37] : memref<2x4000x80xi32, #tpu.memory_space<hbm>> -> memref<1x1x80xi32, #tpu.memory_space<hbm>>
        %dma_start3A_39 = tpu.memref_squeeze %dma_start3A_38 : memref<1x1x80xi32, #tpu.memory_space<hbm>> -> memref<80xi32, #tpu.memory_space<hbm>>
        tpu.enqueue_dma source(%dma_start3A_39 : memref<80xi32, #tpu.memory_space<hbm>>) target(%dma_start3A_36 : memref<80xi32, #tpu.memory_space<vmem>>) target_semaphore(%run_scoped3A_28 : memref<!tpu.dma_semaphore, #tpu.memory_space<semaphore_mem>>)
        %dma_wait3A = arith.constant 0 : i32
        %dma_wait3A_40 = tpu.memref_slice %arg7[%run_scoped3A_23, %dma_wait3A] : memref<2x80xi32, #tpu.memory_space<vmem>> -> memref<1x80xi32, #tpu.memory_space<vmem>>
        %dma_wait3A_41 = tpu.memref_squeeze %dma_wait3A_40 : memref<1x80xi32, #tpu.memory_space<vmem>> -> memref<80xi32, #tpu.memory_space<vmem>>
        %dma_wait3A_42 = arith.constant 0 : i32
        %dma_wait3A_43 = tpu.memref_slice %arg2[%run_scoped3A, %add3A_22, %dma_wait3A_42] : memref<2x4000x80xi32, #tpu.memory_space<hbm>> -> memref<1x1x80xi32, #tpu.memory_space<hbm>>
        %dma_wait3A_44 = tpu.memref_squeeze %dma_wait3A_43 : memref<1x1x80xi32, #tpu.memory_space<hbm>> -> memref<80xi32, #tpu.memory_space<hbm>>
        %dma_wait3A_45 = arith.constant 0 : i32
        %dma_wait3A_46 = tpu.memref_slice %arg7[%run_scoped3A_23, %dma_wait3A_45] : memref<2x80xi32, #tpu.memory_space<vmem>> -> memref<1x80xi32, #tpu.memory_space<vmem>>
        %dma_wait3A_47 = tpu.memref_squeeze %dma_wait3A_46 : memref<1x80xi32, #tpu.memory_space<vmem>> -> memref<80xi32, #tpu.memory_space<vmem>>
        %dma_wait3A_48 = arith.constant 0 : i32
        %dma_wait3A_49 = tpu.memref_slice %arg2[%run_scoped3A, %add3A_22, %dma_wait3A_48] : memref<2x4000x80xi32, #tpu.memory_space<hbm>> -> memref<1x1x80xi32, #tpu.memory_space<hbm>>
        %dma_wait3A_50 = tpu.memref_squeeze %dma_wait3A_49 : memref<1x1x80xi32, #tpu.memory_space<hbm>> -> memref<80xi32, #tpu.memory_space<hbm>>
        tpu.wait_dma2 semaphore(%run_scoped3A_28 : memref<!tpu.dma_semaphore, #tpu.memory_space<semaphore_mem>>) src(%dma_wait3A_50 : memref<80xi32, #tpu.memory_space<hbm>>) dst(%dma_wait3A_47 : memref<80xi32, #tpu.memory_space<vmem>>)
        tpu.yield
      }) : () -> ()
      %run_scoped3A_24 = arith.constant 1 : i32
      %run_scoped3A_25 = arith.constant 1 : i32
      "tpu.region"() ({
        %run_scoped3A_28 = tpu.sem_alloc : memref<!tpu.dma_semaphore, #tpu.memory_space<semaphore_mem>>
        %dma_start3A = arith.constant 0 : i32
        %dma_start3A_29 = tpu.memref_slice %arg7[%run_scoped3A_25, %dma_start3A] : memref<2x80xi32, #tpu.memory_space<vmem>> -> memref<1x80xi32, #tpu.memory_space<vmem>>
        %dma_start3A_30 = tpu.memref_squeeze %dma_start3A_29 : memref<1x80xi32, #tpu.memory_space<vmem>> -> memref<80xi32, #tpu.memory_space<vmem>>
        %dma_start3A_31 = arith.constant 0 : i32
        %dma_start3A_32 = tpu.memref_slice %arg2[%run_scoped3A_24, %add3A_22, %dma_start3A_31] : memref<2x4000x80xi32, #tpu.memory_space<hbm>> -> memref<1x1x80xi32, #tpu.memory_space<hbm>>
        %dma_start3A_33 = tpu.memref_squeeze %dma_start3A_32 : memref<1x1x80xi32, #tpu.memory_space<hbm>> -> memref<80xi32, #tpu.memory_space<hbm>>
        %dma_start3A_34 = arith.constant 0 : i32
        %dma_start3A_35 = tpu.memref_slice %arg7[%run_scoped3A_25, %dma_start3A_34] : memref<2x80xi32, #tpu.memory_space<vmem>> -> memref<1x80xi32, #tpu.memory_space<vmem>>
        %dma_start3A_36 = tpu.memref_squeeze %dma_start3A_35 : memref<1x80xi32, #tpu.memory_space<vmem>> -> memref<80xi32, #tpu.memory_space<vmem>>
        %dma_start3A_37 = arith.constant 0 : i32
        %dma_start3A_38 = tpu.memref_slice %arg2[%run_scoped3A_24, %add3A_22, %dma_start3A_37] : memref<2x4000x80xi32, #tpu.memory_space<hbm>> -> memref<1x1x80xi32, #tpu.memory_space<hbm>>
        %dma_start3A_39 = tpu.memref_squeeze %dma_start3A_38 : memref<1x1x80xi32, #tpu.memory_space<hbm>> -> memref<80xi32, #tpu.memory_space<hbm>>
        tpu.enqueue_dma source(%dma_start3A_39 : memref<80xi32, #tpu.memory_space<hbm>>) target(%dma_start3A_36 : memref<80xi32, #tpu.memory_space<vmem>>) target_semaphore(%run_scoped3A_28 : memref<!tpu.dma_semaphore, #tpu.memory_space<semaphore_mem>>)
        %dma_wait3A = arith.constant 0 : i32
        %dma_wait3A_40 = tpu.memref_slice %arg7[%run_scoped3A_25, %dma_wait3A] : memref<2x80xi32, #tpu.memory_space<vmem>> -> memref<1x80xi32, #tpu.memory_space<vmem>>
        %dma_wait3A_41 = tpu.memref_squeeze %dma_wait3A_40 : memref<1x80xi32, #tpu.memory_space<vmem>> -> memref<80xi32, #tpu.memory_space<vmem>>
        %dma_wait3A_42 = arith.constant 0 : i32
        %dma_wait3A_43 = tpu.memref_slice %arg2[%run_scoped3A_24, %add3A_22, %dma_wait3A_42] : memref<2x4000x80xi32, #tpu.memory_space<hbm>> -> memref<1x1x80xi32, #tpu.memory_space<hbm>>
        %dma_wait3A_44 = tpu.memref_squeeze %dma_wait3A_43 : memref<1x1x80xi32, #tpu.memory_space<hbm>> -> memref<80xi32, #tpu.memory_space<hbm>>
        %dma_wait3A_45 = arith.constant 0 : i32
        %dma_wait3A_46 = tpu.memref_slice %arg7[%run_scoped3A_25, %dma_wait3A_45] : memref<2x80xi32, #tpu.memory_space<vmem>> -> memref<1x80xi32, #tpu.memory_space<vmem>>
        %dma_wait3A_47 = tpu.memref_squeeze %dma_wait3A_46 : memref<1x80xi32, #tpu.memory_space<vmem>> -> memref<80xi32, #tpu.memory_space<vmem>>
        %dma_wait3A_48 = arith.constant 0 : i32
        %dma_wait3A_49 = tpu.memref_slice %arg2[%run_scoped3A_24, %add3A_22, %dma_wait3A_48] : memref<2x4000x80xi32, #tpu.memory_space<hbm>> -> memref<1x1x80xi32, #tpu.memory_space<hbm>>
        %dma_wait3A_50 = tpu.memref_squeeze %dma_wait3A_49 : memref<1x1x80xi32, #tpu.memory_space<hbm>> -> memref<80xi32, #tpu.memory_space<hbm>>
        tpu.wait_dma2 semaphore(%run_scoped3A_28 : memref<!tpu.dma_semaphore, #tpu.memory_space<semaphore_mem>>) src(%dma_wait3A_50 : memref<80xi32, #tpu.memory_space<hbm>>) dst(%dma_wait3A_47 : memref<80xi32, #tpu.memory_space<vmem>>)
        tpu.yield
      }) : () -> ()
      %run_scoped3A_26 = arith.constant 0 : i32
      "tpu.region"() ({
        %run_scoped3A_28 = tpu.sem_alloc : memref<!tpu.dma_semaphore, #tpu.memory_space<semaphore_mem>>
        %dma_start3A = arith.constant 0 : i32
        %dma_start3A_29 = tpu.memref_slice %arg7[%run_scoped3A_26, %dma_start3A] : memref<2x80xi32, #tpu.memory_space<vmem>> -> memref<1x80xi32, #tpu.memory_space<vmem>>
        %dma_start3A_30 = tpu.memref_squeeze %dma_start3A_29 : memref<1x80xi32, #tpu.memory_space<vmem>> -> memref<80xi32, #tpu.memory_space<vmem>>
        %dma_start3A_31 = arith.constant 0 : i32
        %dma_start3A_32 = arith.constant 0 : i32
        %dma_start3A_33 = tpu.memref_slice %arg3[%dma_start3A_31, %dma_start3A_32] : memref<10000x128xf32, #tpu.memory_space<hbm>> -> memref<10000x128xf32, #tpu.memory_space<hbm>>
        tpu.enqueue_indirect_dma source(%dma_start3A_33 : memref<10000x128xf32, #tpu.memory_space<hbm>>) target(%arg8 : memref<80x128xf32, #tpu.memory_space<vmem>>) offsets(%dma_start3A_30 : memref<80xi32, #tpu.memory_space<vmem>>) semaphore(%run_scoped3A_28 : memref<!tpu.dma_semaphore, #tpu.memory_space<semaphore_mem>>)
        %dma_wait3A = arith.constant 0 : i32
        %dma_wait3A_34 = tpu.memref_slice %arg7[%run_scoped3A_26, %dma_wait3A] : memref<2x80xi32, #tpu.memory_space<vmem>> -> memref<1x80xi32, #tpu.memory_space<vmem>>
        %dma_wait3A_35 = tpu.memref_squeeze %dma_wait3A_34 : memref<1x80xi32, #tpu.memory_space<vmem>> -> memref<80xi32, #tpu.memory_space<vmem>>
        %dma_wait3A_36 = arith.constant 0 : i32
        %dma_wait3A_37 = arith.constant 0 : i32
        %dma_wait3A_38 = tpu.memref_slice %arg3[%dma_wait3A_36, %dma_wait3A_37] : memref<10000x128xf32, #tpu.memory_space<hbm>> -> memref<10000x128xf32, #tpu.memory_space<hbm>>
        tpu.wait_indirect_dma semaphore(%run_scoped3A_28 : memref<!tpu.dma_semaphore, #tpu.memory_space<semaphore_mem>>) src(%dma_wait3A_38 : memref<10000x128xf32, #tpu.memory_space<hbm>>) dst(%arg8 : memref<80x128xf32, #tpu.memory_space<vmem>>)
        tpu.yield
      }) : () -> ()
      %run_scoped3A_27 = arith.constant 1 : i32
      "tpu.region"() ({
        %run_scoped3A_28 = tpu.sem_alloc : memref<!tpu.dma_semaphore, #tpu.memory_space<semaphore_mem>>
        %dma_start3A = arith.constant 0 : i32
        %dma_start3A_29 = tpu.memref_slice %arg7[%run_scoped3A_27, %dma_start3A] : memref<2x80xi32, #tpu.memory_space<vmem>> -> memref<1x80xi32, #tpu.memory_space<vmem>>
        %dma_start3A_30 = tpu.memref_squeeze %dma_start3A_29 : memref<1x80xi32, #tpu.memory_space<vmem>> -> memref<80xi32, #tpu.memory_space<vmem>>
        %dma_start3A_31 = arith.constant 0 : i32
        %dma_start3A_32 = arith.constant 0 : i32
        %dma_start3A_33 = tpu.memref_slice %arg6[%dma_start3A_31, %dma_start3A_32] : memref<10240x128xf32, #tpu.memory_space<vmem_shared>> -> memref<10240x128xf32, #tpu.memory_space<vmem_shared>>
        tpu.enqueue_indirect_dma source(%arg8 : memref<80x128xf32, #tpu.memory_space<vmem>>) target(%dma_start3A_33 : memref<10240x128xf32, #tpu.memory_space<vmem_shared>>) offsets(%dma_start3A_30 : memref<80xi32, #tpu.memory_space<vmem>>) semaphore(%run_scoped3A_28 : memref<!tpu.dma_semaphore, #tpu.memory_space<semaphore_mem>>) {add = true}
        %dma_wait3A = arith.constant 0 : i32
        %dma_wait3A_34 = tpu.memref_slice %arg7[%run_scoped3A_27, %dma_wait3A] : memref<2x80xi32, #tpu.memory_space<vmem>> -> memref<1x80xi32, #tpu.memory_space<vmem>>
        %dma_wait3A_35 = tpu.memref_squeeze %dma_wait3A_34 : memref<1x80xi32, #tpu.memory_space<vmem>> -> memref<80xi32, #tpu.memory_space<vmem>>
        %dma_wait3A_36 = arith.constant 0 : i32
        %dma_wait3A_37 = arith.constant 0 : i32
        %dma_wait3A_38 = tpu.memref_slice %arg6[%dma_wait3A_36, %dma_wait3A_37] : memref<10240x128xf32, #tpu.memory_space<vmem_shared>> -> memref<10240x128xf32, #tpu.memory_space<vmem_shared>>
        tpu.wait_indirect_dma semaphore(%run_scoped3A_28 : memref<!tpu.dma_semaphore, #tpu.memory_space<semaphore_mem>>) src(%arg8 : memref<80x128xf32, #tpu.memory_space<vmem>>) dst(%dma_wait3A_38 : memref<10240x128xf32, #tpu.memory_space<vmem_shared>>)
        tpu.yield
      }) : () -> ()
    }
    %scan3A_8 = arith.constant 125 : i32
    %barrier3A_9 = arith.constant 0 : index
    tpu.barrier barrier_id(%barrier3A_9)
    %scan3A_10 = arith.constant 0 : i32
    %scan3A_11 = arith.constant 8 : i32
    %scan3A_12 = arith.addi %scan3A_10, %scan3A_11 : i32
    %scan3A_13 = arith.constant 1 : i32
    scf.for %scan3A_15 = %scan3A_10 to %scan3A_12 step %scan3A_13  : i32 {
      %mul3A_16 = arith.constant 1 : i32
      %mul3A_17 = arith.muli %scan3A_15, %mul3A_16 : i32
      %add3A_18 = arith.constant 0 : i32
      %add3A_19 = arith.addi %add3A_18, %mul3A_17 : i32
      %mul3A_20 = arith.constant 640 : i32
      %mul3A_21 = arith.muli %arg1, %mul3A_20 : i32
      %mul3A_22 = arith.constant 80 : i32
      %mul3A_23 = arith.muli %add3A_19, %mul3A_22 : i32
      %add3A_24 = arith.addi %mul3A_21, %mul3A_23 : i32
      "tpu.region"() ({
        %run_scoped3A = tpu.sem_alloc : memref<!tpu.dma_semaphore, #tpu.memory_space<semaphore_mem>>
        %dma_start3A = arith.constant 0 : i32
        %dma_start3A_25 = tpu.memref_slice %arg6[%add3A_24, %dma_start3A] : memref<10240x128xf32, #tpu.memory_space<vmem_shared>> -> memref<80x128xf32, #tpu.memory_space<vmem_shared>>
        %dma_start3A_26 = arith.constant 0 : i32
        %dma_start3A_27 = tpu.memref_slice %arg6[%add3A_24, %dma_start3A_26] : memref<10240x128xf32, #tpu.memory_space<vmem_shared>> -> memref<80x128xf32, #tpu.memory_space<vmem_shared>>
        tpu.enqueue_dma source(%dma_start3A_27 : memref<80x128xf32, #tpu.memory_space<vmem_shared>>) target(%arg9 : memref<80x128xf32, #tpu.memory_space<vmem>>) target_semaphore(%run_scoped3A : memref<!tpu.dma_semaphore, #tpu.memory_space<semaphore_mem>>)
        %dma_wait3A = arith.constant 0 : i32
        %dma_wait3A_28 = tpu.memref_slice %arg6[%add3A_24, %dma_wait3A] : memref<10240x128xf32, #tpu.memory_space<vmem_shared>> -> memref<80x128xf32, #tpu.memory_space<vmem_shared>>
        %dma_wait3A_29 = arith.constant 0 : i32
        %dma_wait3A_30 = tpu.memref_slice %arg6[%add3A_24, %dma_wait3A_29] : memref<10240x128xf32, #tpu.memory_space<vmem_shared>> -> memref<80x128xf32, #tpu.memory_space<vmem_shared>>
        tpu.wait_dma2 semaphore(%run_scoped3A : memref<!tpu.dma_semaphore, #tpu.memory_space<semaphore_mem>>) src(%dma_wait3A_30 : memref<80x128xf32, #tpu.memory_space<vmem_shared>>) dst(%arg9 : memref<80x128xf32, #tpu.memory_space<vmem>>)
        tpu.yield
      }) : () -> ()
      "tpu.region"() ({
        %run_scoped3A = tpu.sem_alloc : memref<!tpu.dma_semaphore, #tpu.memory_space<semaphore_mem>>
        %dma_start3A = arith.constant 0 : i32
        %dma_start3A_25 = tpu.memref_slice %arg5[%arg0, %add3A_24, %dma_start3A] : memref<2x10240x128xf32, #tpu.memory_space<hbm>> -> memref<1x80x128xf32, #tpu.memory_space<hbm>>
        %dma_start3A_26 = tpu.memref_squeeze %dma_start3A_25 : memref<1x80x128xf32, #tpu.memory_space<hbm>> -> memref<80x128xf32, #tpu.memory_space<hbm>>
        %dma_start3A_27 = arith.constant 0 : i32
        %dma_start3A_28 = tpu.memref_slice %arg5[%arg0, %add3A_24, %dma_start3A_27] : memref<2x10240x128xf32, #tpu.memory_space<hbm>> -> memref<1x80x128xf32, #tpu.memory_space<hbm>>
        %dma_start3A_29 = tpu.memref_squeeze %dma_start3A_28 : memref<1x80x128xf32, #tpu.memory_space<hbm>> -> memref<80x128xf32, #tpu.memory_space<hbm>>
        tpu.enqueue_dma source(%arg9 : memref<80x128xf32, #tpu.memory_space<vmem>>) target(%dma_start3A_29 : memref<80x128xf32, #tpu.memory_space<hbm>>) target_semaphore(%run_scoped3A : memref<!tpu.dma_semaphore, #tpu.memory_space<semaphore_mem>>)
        %dma_wait3A = arith.constant 0 : i32
        %dma_wait3A_30 = tpu.memref_slice %arg5[%arg0, %add3A_24, %dma_wait3A] : memref<2x10240x128xf32, #tpu.memory_space<hbm>> -> memref<1x80x128xf32, #tpu.memory_space<hbm>>
        %dma_wait3A_31 = tpu.memref_squeeze %dma_wait3A_30 : memref<1x80x128xf32, #tpu.memory_space<hbm>> -> memref<80x128xf32, #tpu.memory_space<hbm>>
        %dma_wait3A_32 = arith.constant 0 : i32
        %dma_wait3A_33 = tpu.memref_slice %arg5[%arg0, %add3A_24, %dma_wait3A_32] : memref<2x10240x128xf32, #tpu.memory_space<hbm>> -> memref<1x80x128xf32, #tpu.memory_space<hbm>>
        %dma_wait3A_34 = tpu.memref_squeeze %dma_wait3A_33 : memref<1x80x128xf32, #tpu.memory_space<hbm>> -> memref<80x128xf32, #tpu.memory_space<hbm>>
        tpu.wait_dma2 semaphore(%run_scoped3A : memref<!tpu.dma_semaphore, #tpu.memory_space<semaphore_mem>>) src(%arg9 : memref<80x128xf32, #tpu.memory_space<vmem>>) dst(%dma_wait3A_34 : memref<80x128xf32, #tpu.memory_space<hbm>>)
        tpu.yield
      }) : () -> ()
    }
    %scan3A_14 = arith.constant 8 : i32
    return
  }
}

#map = affine_map<(d0, d1) -> (0, 0, 0)>
#map1 = affine_map<(d0, d1) -> (0)>
#map2 = affine_map<(d0, d1) -> (0, 0)>
module attributes {stable_mosaic.version = 14 : i64} {
  func.func @_sc_deg_body(%arg0: i32, %arg1: i32, %arg2: memref<2x4000x80xi32, #tpu.memory_space<hbm>>, %arg3: memref<10240xf32, #tpu.memory_space<hbm>>, %arg4: memref<2x10240xf32, #tpu.memory_space<hbm>>, %arg5: memref<10240xf32, #tpu.memory_space<vmem_shared>>, %arg6: memref<2x80xi32, #tpu.memory_space<vmem>>, %arg7: memref<1x80xf32, #tpu.memory_space<vmem>>, %arg8: memref<640xf32, #tpu.memory_space<vmem>>) attributes {dimension_semantics = [#tpu.dimension_semantics<core_parallel>, #tpu.dimension_semantics<subcore_parallel>], iteration_bounds = array<i64: 2, 16>, scalar_prefetch = 0 : i64, scratch_operands = 4 : i64, tpu.core_type = #tpu.core_type<sc_vector_subcore>, window_params = [{transform_indices = #map}, {transform_indices = #map1}, {transform_indices = #map2}]} {
    %mul3A = arith.constant 2 : i32
    %mul3A_0 = arith.muli %arg1, %mul3A : i32
    %add3A = arith.addi %mul3A_0, %arg0 : i32
    %mul3A_1 = arith.constant 640 : i32
    %mul3A_2 = arith.muli %arg1, %mul3A_1 : i32
    %mul3A_3 = arith.constant 640 : i32
    %mul3A_4 = arith.muli %arg1, %mul3A_3 : i32
    "tpu.region"() ({
      %run_scoped3A = tpu.sem_alloc : memref<!tpu.dma_semaphore, #tpu.memory_space<semaphore_mem>>
      %dma_start3A = tpu.memref_slice %arg5[%mul3A_4] : memref<10240xf32, #tpu.memory_space<vmem_shared>> -> memref<640xf32, #tpu.memory_space<vmem_shared>>
      %dma_start3A_52 = tpu.memref_slice %arg3[%mul3A_2] : memref<10240xf32, #tpu.memory_space<hbm>> -> memref<640xf32, #tpu.memory_space<hbm>>
      tpu.enqueue_dma source(%dma_start3A_52 : memref<640xf32, #tpu.memory_space<hbm>>) target(%dma_start3A : memref<640xf32, #tpu.memory_space<vmem_shared>>) target_semaphore(%run_scoped3A : memref<!tpu.dma_semaphore, #tpu.memory_space<semaphore_mem>>)
      %dma_wait3A = tpu.memref_slice %arg5[%mul3A_4] : memref<10240xf32, #tpu.memory_space<vmem_shared>> -> memref<640xf32, #tpu.memory_space<vmem_shared>>
      %dma_wait3A_53 = tpu.memref_slice %arg3[%mul3A_2] : memref<10240xf32, #tpu.memory_space<hbm>> -> memref<640xf32, #tpu.memory_space<hbm>>
      tpu.wait_dma2 semaphore(%run_scoped3A : memref<!tpu.dma_semaphore, #tpu.memory_space<semaphore_mem>>) src(%dma_wait3A_53 : memref<640xf32, #tpu.memory_space<hbm>>) dst(%dma_wait3A : memref<640xf32, #tpu.memory_space<vmem_shared>>)
      tpu.yield
    }) : () -> ()
    %broadcast_in_dim3A = arith.constant 1.000000e+00 : f32
    %broadcast_in_dim3A_5 = vector.broadcast %broadcast_in_dim3A : f32 to vector<16xf32>
    %swap3A = arith.constant 0 : i32
    %swap3A_6 = arith.index_cast %swap3A : i32 to index
    %swap3A_7 = arith.constant 0 : index
    %swap3A_8 = tpu.vector_load %arg7[%swap3A_6, %swap3A_7] {strides = array<i32>} : memref<1x80xf32, #tpu.memory_space<vmem>>, vector<1x16xf32>,
    %swap3A_9 = vector.shape_cast %swap3A_8 : vector<1x16xf32> to vector<16xf32>
    %swap3A_10 = vector.shape_cast %broadcast_in_dim3A_5 : vector<16xf32> to vector<1x16xf32>
    tpu.vector_store %arg7[%swap3A_6, %swap3A_7], %swap3A_10 {strides = array<i32>} : memref<1x80xf32, #tpu.memory_space<vmem>>, vector<1x16xf32>,
    %broadcast_in_dim3A_11 = arith.constant 1.000000e+00 : f32
    %broadcast_in_dim3A_12 = vector.broadcast %broadcast_in_dim3A_11 : f32 to vector<16xf32>
    %swap3A_13 = arith.constant 0 : i32
    %swap3A_14 = arith.index_cast %swap3A_13 : i32 to index
    %swap3A_15 = arith.constant 16 : index
    %swap3A_16 = tpu.vector_load %arg7[%swap3A_14, %swap3A_15] {strides = array<i32>} : memref<1x80xf32, #tpu.memory_space<vmem>>, vector<1x16xf32>,
    %swap3A_17 = vector.shape_cast %swap3A_16 : vector<1x16xf32> to vector<16xf32>
    %swap3A_18 = vector.shape_cast %broadcast_in_dim3A_12 : vector<16xf32> to vector<1x16xf32>
    tpu.vector_store %arg7[%swap3A_14, %swap3A_15], %swap3A_18 {strides = array<i32>} : memref<1x80xf32, #tpu.memory_space<vmem>>, vector<1x16xf32>,
    %broadcast_in_dim3A_19 = arith.constant 1.000000e+00 : f32
    %broadcast_in_dim3A_20 = vector.broadcast %broadcast_in_dim3A_19 : f32 to vector<16xf32>
    %swap3A_21 = arith.constant 0 : i32
    %swap3A_22 = arith.index_cast %swap3A_21 : i32 to index
    %swap3A_23 = arith.constant 32 : index
    %swap3A_24 = tpu.vector_load %arg7[%swap3A_22, %swap3A_23] {strides = array<i32>} : memref<1x80xf32, #tpu.memory_space<vmem>>, vector<1x16xf32>,
    %swap3A_25 = vector.shape_cast %swap3A_24 : vector<1x16xf32> to vector<16xf32>
    %swap3A_26 = vector.shape_cast %broadcast_in_dim3A_20 : vector<16xf32> to vector<1x16xf32>
    tpu.vector_store %arg7[%swap3A_22, %swap3A_23], %swap3A_26 {strides = array<i32>} : memref<1x80xf32, #tpu.memory_space<vmem>>, vector<1x16xf32>,
    %broadcast_in_dim3A_27 = arith.constant 1.000000e+00 : f32
    %broadcast_in_dim3A_28 = vector.broadcast %broadcast_in_dim3A_27 : f32 to vector<16xf32>
    %swap3A_29 = arith.constant 0 : i32
    %swap3A_30 = arith.index_cast %swap3A_29 : i32 to index
    %swap3A_31 = arith.constant 48 : index
    %swap3A_32 = tpu.vector_load %arg7[%swap3A_30, %swap3A_31] {strides = array<i32>} : memref<1x80xf32, #tpu.memory_space<vmem>>, vector<1x16xf32>,
    %swap3A_33 = vector.shape_cast %swap3A_32 : vector<1x16xf32> to vector<16xf32>
    %swap3A_34 = vector.shape_cast %broadcast_in_dim3A_28 : vector<16xf32> to vector<1x16xf32>
    tpu.vector_store %arg7[%swap3A_30, %swap3A_31], %swap3A_34 {strides = array<i32>} : memref<1x80xf32, #tpu.memory_space<vmem>>, vector<1x16xf32>,
    %broadcast_in_dim3A_35 = arith.constant 1.000000e+00 : f32
    %broadcast_in_dim3A_36 = vector.broadcast %broadcast_in_dim3A_35 : f32 to vector<16xf32>
    %swap3A_37 = arith.constant 0 : i32
    %swap3A_38 = arith.index_cast %swap3A_37 : i32 to index
    %swap3A_39 = arith.constant 64 : index
    %swap3A_40 = tpu.vector_load %arg7[%swap3A_38, %swap3A_39] {strides = array<i32>} : memref<1x80xf32, #tpu.memory_space<vmem>>, vector<1x16xf32>,
    %swap3A_41 = vector.shape_cast %swap3A_40 : vector<1x16xf32> to vector<16xf32>
    %swap3A_42 = vector.shape_cast %broadcast_in_dim3A_36 : vector<16xf32> to vector<1x16xf32>
    tpu.vector_store %arg7[%swap3A_38, %swap3A_39], %swap3A_42 {strides = array<i32>} : memref<1x80xf32, #tpu.memory_space<vmem>>, vector<1x16xf32>,
    %barrier3A = arith.constant 0 : index
    tpu.barrier barrier_id(%barrier3A)
    %scan3A = arith.constant 0 : i32
    %scan3A_43 = arith.constant 125 : i32
    %scan3A_44 = arith.addi %scan3A, %scan3A_43 : i32
    %scan3A_45 = arith.constant 1 : i32
    scf.for %scan3A_52 = %scan3A to %scan3A_44 step %scan3A_45  : i32 {
      %mul3A_53 = arith.constant 1 : i32
      %mul3A_54 = arith.muli %scan3A_52, %mul3A_53 : i32
      %add3A_55 = arith.constant 0 : i32
      %add3A_56 = arith.addi %add3A_55, %mul3A_54 : i32
      %mul3A_57 = arith.constant 125 : i32
      %mul3A_58 = arith.muli %add3A, %mul3A_57 : i32
      %add3A_59 = arith.addi %mul3A_58, %add3A_56 : i32
      %run_scoped3A = arith.constant 1 : i32
      %run_scoped3A_60 = arith.constant 0 : i32
      "tpu.region"() ({
        %run_scoped3A_63 = tpu.sem_alloc : memref<!tpu.dma_semaphore, #tpu.memory_space<semaphore_mem>>
        %dma_start3A = arith.constant 0 : i32
        %dma_start3A_64 = tpu.memref_slice %arg6[%run_scoped3A_60, %dma_start3A] : memref<2x80xi32, #tpu.memory_space<vmem>> -> memref<1x80xi32, #tpu.memory_space<vmem>>
        %dma_start3A_65 = tpu.memref_squeeze %dma_start3A_64 : memref<1x80xi32, #tpu.memory_space<vmem>> -> memref<80xi32, #tpu.memory_space<vmem>>
        %dma_start3A_66 = arith.constant 0 : i32
        %dma_start3A_67 = tpu.memref_slice %arg2[%run_scoped3A, %add3A_59, %dma_start3A_66] : memref<2x4000x80xi32, #tpu.memory_space<hbm>> -> memref<1x1x80xi32, #tpu.memory_space<hbm>>
        %dma_start3A_68 = tpu.memref_squeeze %dma_start3A_67 : memref<1x1x80xi32, #tpu.memory_space<hbm>> -> memref<80xi32, #tpu.memory_space<hbm>>
        %dma_start3A_69 = arith.constant 0 : i32
        %dma_start3A_70 = tpu.memref_slice %arg6[%run_scoped3A_60, %dma_start3A_69] : memref<2x80xi32, #tpu.memory_space<vmem>> -> memref<1x80xi32, #tpu.memory_space<vmem>>
        %dma_start3A_71 = tpu.memref_squeeze %dma_start3A_70 : memref<1x80xi32, #tpu.memory_space<vmem>> -> memref<80xi32, #tpu.memory_space<vmem>>
        %dma_start3A_72 = arith.constant 0 : i32
        %dma_start3A_73 = tpu.memref_slice %arg2[%run_scoped3A, %add3A_59, %dma_start3A_72] : memref<2x4000x80xi32, #tpu.memory_space<hbm>> -> memref<1x1x80xi32, #tpu.memory_space<hbm>>
        %dma_start3A_74 = tpu.memref_squeeze %dma_start3A_73 : memref<1x1x80xi32, #tpu.memory_space<hbm>> -> memref<80xi32, #tpu.memory_space<hbm>>
        tpu.enqueue_dma source(%dma_start3A_74 : memref<80xi32, #tpu.memory_space<hbm>>) target(%dma_start3A_71 : memref<80xi32, #tpu.memory_space<vmem>>) target_semaphore(%run_scoped3A_63 : memref<!tpu.dma_semaphore, #tpu.memory_space<semaphore_mem>>)
        %dma_wait3A = arith.constant 0 : i32
        %dma_wait3A_75 = tpu.memref_slice %arg6[%run_scoped3A_60, %dma_wait3A] : memref<2x80xi32, #tpu.memory_space<vmem>> -> memref<1x80xi32, #tpu.memory_space<vmem>>
        %dma_wait3A_76 = tpu.memref_squeeze %dma_wait3A_75 : memref<1x80xi32, #tpu.memory_space<vmem>> -> memref<80xi32, #tpu.memory_space<vmem>>
        %dma_wait3A_77 = arith.constant 0 : i32
        %dma_wait3A_78 = tpu.memref_slice %arg2[%run_scoped3A, %add3A_59, %dma_wait3A_77] : memref<2x4000x80xi32, #tpu.memory_space<hbm>> -> memref<1x1x80xi32, #tpu.memory_space<hbm>>
        %dma_wait3A_79 = tpu.memref_squeeze %dma_wait3A_78 : memref<1x1x80xi32, #tpu.memory_space<hbm>> -> memref<80xi32, #tpu.memory_space<hbm>>
        %dma_wait3A_80 = arith.constant 0 : i32
        %dma_wait3A_81 = tpu.memref_slice %arg6[%run_scoped3A_60, %dma_wait3A_80] : memref<2x80xi32, #tpu.memory_space<vmem>> -> memref<1x80xi32, #tpu.memory_space<vmem>>
        %dma_wait3A_82 = tpu.memref_squeeze %dma_wait3A_81 : memref<1x80xi32, #tpu.memory_space<vmem>> -> memref<80xi32, #tpu.memory_space<vmem>>
        %dma_wait3A_83 = arith.constant 0 : i32
        %dma_wait3A_84 = tpu.memref_slice %arg2[%run_scoped3A, %add3A_59, %dma_wait3A_83] : memref<2x4000x80xi32, #tpu.memory_space<hbm>> -> memref<1x1x80xi32, #tpu.memory_space<hbm>>
        %dma_wait3A_85 = tpu.memref_squeeze %dma_wait3A_84 : memref<1x1x80xi32, #tpu.memory_space<hbm>> -> memref<80xi32, #tpu.memory_space<hbm>>
        tpu.wait_dma2 semaphore(%run_scoped3A_63 : memref<!tpu.dma_semaphore, #tpu.memory_space<semaphore_mem>>) src(%dma_wait3A_85 : memref<80xi32, #tpu.memory_space<hbm>>) dst(%dma_wait3A_82 : memref<80xi32, #tpu.memory_space<vmem>>)
        tpu.yield
      }) : () -> ()
      %run_scoped3A_61 = arith.constant 0 : i32
      %run_scoped3A_62 = arith.constant 0 : i32
      "tpu.region"() ({
        %run_scoped3A_63 = tpu.sem_alloc : memref<!tpu.dma_semaphore, #tpu.memory_space<semaphore_mem>>
        %dma_start3A = arith.constant 0 : i32
        %dma_start3A_64 = tpu.memref_slice %arg7[%run_scoped3A_61, %dma_start3A] : memref<1x80xf32, #tpu.memory_space<vmem>> -> memref<1x80xf32, #tpu.memory_space<vmem>>
        %dma_start3A_65 = tpu.memref_squeeze %dma_start3A_64 : memref<1x80xf32, #tpu.memory_space<vmem>> -> memref<80xf32, #tpu.memory_space<vmem>>
        %dma_start3A_66 = arith.constant 0 : i32
        %dma_start3A_67 = tpu.memref_slice %arg6[%run_scoped3A_62, %dma_start3A_66] : memref<2x80xi32, #tpu.memory_space<vmem>> -> memref<1x80xi32, #tpu.memory_space<vmem>>
        %dma_start3A_68 = tpu.memref_squeeze %dma_start3A_67 : memref<1x80xi32, #tpu.memory_space<vmem>> -> memref<80xi32, #tpu.memory_space<vmem>>
        %dma_start3A_69 = arith.constant 0 : i32
        %dma_start3A_70 = tpu.memref_slice %arg5[%dma_start3A_69] : memref<10240xf32, #tpu.memory_space<vmem_shared>> -> memref<10240xf32, #tpu.memory_space<vmem_shared>>
        tpu.enqueue_indirect_dma source(%dma_start3A_65 : memref<80xf32, #tpu.memory_space<vmem>>) target(%dma_start3A_70 : memref<10240xf32, #tpu.memory_space<vmem_shared>>) offsets(%dma_start3A_68 : memref<80xi32, #tpu.memory_space<vmem>>) semaphore(%run_scoped3A_63 : memref<!tpu.dma_semaphore, #tpu.memory_space<semaphore_mem>>) {add = true}
        %dma_wait3A = arith.constant 0 : i32
        %dma_wait3A_71 = tpu.memref_slice %arg7[%run_scoped3A_61, %dma_wait3A] : memref<1x80xf32, #tpu.memory_space<vmem>> -> memref<1x80xf32, #tpu.memory_space<vmem>>
        %dma_wait3A_72 = tpu.memref_squeeze %dma_wait3A_71 : memref<1x80xf32, #tpu.memory_space<vmem>> -> memref<80xf32, #tpu.memory_space<vmem>>
        %dma_wait3A_73 = arith.constant 0 : i32
        %dma_wait3A_74 = tpu.memref_slice %arg6[%run_scoped3A_62, %dma_wait3A_73] : memref<2x80xi32, #tpu.memory_space<vmem>> -> memref<1x80xi32, #tpu.memory_space<vmem>>
        %dma_wait3A_75 = tpu.memref_squeeze %dma_wait3A_74 : memref<1x80xi32, #tpu.memory_space<vmem>> -> memref<80xi32, #tpu.memory_space<vmem>>
        %dma_wait3A_76 = arith.constant 0 : i32
        %dma_wait3A_77 = tpu.memref_slice %arg5[%dma_wait3A_76] : memref<10240xf32, #tpu.memory_space<vmem_shared>> -> memref<10240xf32, #tpu.memory_space<vmem_shared>>
        tpu.wait_indirect_dma semaphore(%run_scoped3A_63 : memref<!tpu.dma_semaphore, #tpu.memory_space<semaphore_mem>>) src(%dma_wait3A_72 : memref<80xf32, #tpu.memory_space<vmem>>) dst(%dma_wait3A_77 : memref<10240xf32, #tpu.memory_space<vmem_shared>>)
        tpu.yield
      }) : () -> ()
    }
    %scan3A_46 = arith.constant 125 : i32
    %barrier3A_47 = arith.constant 0 : index
    tpu.barrier barrier_id(%barrier3A_47)
    %mul3A_48 = arith.constant 640 : i32
    %mul3A_49 = arith.muli %arg1, %mul3A_48 : i32
    "tpu.region"() ({
      %run_scoped3A = tpu.sem_alloc : memref<!tpu.dma_semaphore, #tpu.memory_space<semaphore_mem>>
      %dma_start3A = tpu.memref_slice %arg5[%mul3A_49] : memref<10240xf32, #tpu.memory_space<vmem_shared>> -> memref<640xf32, #tpu.memory_space<vmem_shared>>
      %dma_start3A_52 = tpu.memref_slice %arg5[%mul3A_49] : memref<10240xf32, #tpu.memory_space<vmem_shared>> -> memref<640xf32, #tpu.memory_space<vmem_shared>>
      tpu.enqueue_dma source(%dma_start3A_52 : memref<640xf32, #tpu.memory_space<vmem_shared>>) target(%arg8 : memref<640xf32, #tpu.memory_space<vmem>>) target_semaphore(%run_scoped3A : memref<!tpu.dma_semaphore, #tpu.memory_space<semaphore_mem>>)
      %dma_wait3A = tpu.memref_slice %arg5[%mul3A_49] : memref<10240xf32, #tpu.memory_space<vmem_shared>> -> memref<640xf32, #tpu.memory_space<vmem_shared>>
      %dma_wait3A_53 = tpu.memref_slice %arg5[%mul3A_49] : memref<10240xf32, #tpu.memory_space<vmem_shared>> -> memref<640xf32, #tpu.memory_space<vmem_shared>>
      tpu.wait_dma2 semaphore(%run_scoped3A : memref<!tpu.dma_semaphore, #tpu.memory_space<semaphore_mem>>) src(%dma_wait3A_53 : memref<640xf32, #tpu.memory_space<vmem_shared>>) dst(%arg8 : memref<640xf32, #tpu.memory_space<vmem>>)
      tpu.yield
    }) : () -> ()
    %mul3A_50 = arith.constant 640 : i32
    %mul3A_51 = arith.muli %arg1, %mul3A_50 : i32
    "tpu.region"() ({
      %run_scoped3A = tpu.sem_alloc : memref<!tpu.dma_semaphore, #tpu.memory_space<semaphore_mem>>
      %dma_start3A = tpu.memref_slice %arg4[%arg0, %mul3A_51] : memref<2x10240xf32, #tpu.memory_space<hbm>> -> memref<1x640xf32, #tpu.memory_space<hbm>>
      %dma_start3A_52 = tpu.memref_squeeze %dma_start3A : memref<1x640xf32, #tpu.memory_space<hbm>> -> memref<640xf32, #tpu.memory_space<hbm>>
      %dma_start3A_53 = tpu.memref_slice %arg4[%arg0, %mul3A_51] : memref<2x10240xf32, #tpu.memory_space<hbm>> -> memref<1x640xf32, #tpu.memory_space<hbm>>
      %dma_start3A_54 = tpu.memref_squeeze %dma_start3A_53 : memref<1x640xf32, #tpu.memory_space<hbm>> -> memref<640xf32, #tpu.memory_space<hbm>>
      tpu.enqueue_dma source(%arg8 : memref<640xf32, #tpu.memory_space<vmem>>) target(%dma_start3A_54 : memref<640xf32, #tpu.memory_space<hbm>>) target_semaphore(%run_scoped3A : memref<!tpu.dma_semaphore, #tpu.memory_space<semaphore_mem>>)
      %dma_wait3A = tpu.memref_slice %arg4[%arg0, %mul3A_51] : memref<2x10240xf32, #tpu.memory_space<hbm>> -> memref<1x640xf32, #tpu.memory_space<hbm>>
      %dma_wait3A_55 = tpu.memref_squeeze %dma_wait3A : memref<1x640xf32, #tpu.memory_space<hbm>> -> memref<640xf32, #tpu.memory_space<hbm>>
      %dma_wait3A_56 = tpu.memref_slice %arg4[%arg0, %mul3A_51] : memref<2x10240xf32, #tpu.memory_space<hbm>> -> memref<1x640xf32, #tpu.memory_space<hbm>>
      %dma_wait3A_57 = tpu.memref_squeeze %dma_wait3A_56 : memref<1x640xf32, #tpu.memory_space<hbm>> -> memref<640xf32, #tpu.memory_space<hbm>>
      tpu.wait_dma2 semaphore(%run_scoped3A : memref<!tpu.dma_semaphore, #tpu.memory_space<semaphore_mem>>) src(%arg8 : memref<640xf32, #tpu.memory_space<vmem>>) dst(%dma_wait3A_57 : memref<640xf32, #tpu.memory_space<hbm>>)
      tpu.yield
    }) : () -> ()
    return
  }
}

#map = affine_map<(d0, d1) -> (0, 0, 0)>
#map1 = affine_map<(d0, d1) -> (0, 0)>
module attributes {stable_mosaic.version = 14 : i64} {
  func.func @_sc_agg_body(%arg0: i32, %arg1: i32, %arg2: memref<2x4000x80xi32, #tpu.memory_space<hbm>>, %arg3: memref<10000x128xf32, #tpu.memory_space<hbm>>, %arg4: memref<10240x128xf32, #tpu.memory_space<hbm>>, %arg5: memref<2x10240x128xf32, #tpu.memory_space<hbm>>, %arg6: memref<10240x128xf32, #tpu.memory_space<vmem_shared>>, %arg7: memref<2x80xi32, #tpu.memory_space<vmem>>, %arg8: memref<80x128xf32, #tpu.memory_space<vmem>>, %arg9: memref<80x128xf32, #tpu.memory_space<vmem>>) attributes {dimension_semantics = [#tpu.dimension_semantics<core_parallel>, #tpu.dimension_semantics<subcore_parallel>], iteration_bounds = array<i64: 2, 16>, scalar_prefetch = 0 : i64, scratch_operands = 4 : i64, tpu.core_type = #tpu.core_type<sc_vector_subcore>, window_params = [{transform_indices = #map}, {transform_indices = #map1}, {transform_indices = #map1}, {transform_indices = #map}]} {
    %mul3A = arith.constant 2 : i32
    %mul3A_0 = arith.muli %arg1, %mul3A : i32
    %add3A = arith.addi %mul3A_0, %arg0 : i32
    %mul3A_1 = arith.constant 640 : i32
    %mul3A_2 = arith.muli %arg1, %mul3A_1 : i32
    %mul3A_3 = arith.constant 640 : i32
    %mul3A_4 = arith.muli %arg1, %mul3A_3 : i32
    "tpu.region"() ({
      %run_scoped3A = tpu.sem_alloc : memref<!tpu.dma_semaphore, #tpu.memory_space<semaphore_mem>>
      %dma_start3A = arith.constant 0 : i32
      %dma_start3A_15 = tpu.memref_slice %arg6[%mul3A_4, %dma_start3A] : memref<10240x128xf32, #tpu.memory_space<vmem_shared>> -> memref<640x128xf32, #tpu.memory_space<vmem_shared>>
      %dma_start3A_16 = arith.constant 0 : i32
      %dma_start3A_17 = tpu.memref_slice %arg4[%mul3A_2, %dma_start3A_16] : memref<10240x128xf32, #tpu.memory_space<hbm>> -> memref<640x128xf32, #tpu.memory_space<hbm>>
      tpu.enqueue_dma source(%dma_start3A_17 : memref<640x128xf32, #tpu.memory_space<hbm>>) target(%dma_start3A_15 : memref<640x128xf32, #tpu.memory_space<vmem_shared>>) target_semaphore(%run_scoped3A : memref<!tpu.dma_semaphore, #tpu.memory_space<semaphore_mem>>)
      %dma_wait3A = arith.constant 0 : i32
      %dma_wait3A_18 = tpu.memref_slice %arg6[%mul3A_4, %dma_wait3A] : memref<10240x128xf32, #tpu.memory_space<vmem_shared>> -> memref<640x128xf32, #tpu.memory_space<vmem_shared>>
      %dma_wait3A_19 = arith.constant 0 : i32
      %dma_wait3A_20 = tpu.memref_slice %arg4[%mul3A_2, %dma_wait3A_19] : memref<10240x128xf32, #tpu.memory_space<hbm>> -> memref<640x128xf32, #tpu.memory_space<hbm>>
      tpu.wait_dma2 semaphore(%run_scoped3A : memref<!tpu.dma_semaphore, #tpu.memory_space<semaphore_mem>>) src(%dma_wait3A_20 : memref<640x128xf32, #tpu.memory_space<hbm>>) dst(%dma_wait3A_18 : memref<640x128xf32, #tpu.memory_space<vmem_shared>>)
      tpu.yield
    }) : () -> ()
    %barrier3A = arith.constant 0 : index
    tpu.barrier barrier_id(%barrier3A)
    %scan3A = arith.constant 0 : i32
    %scan3A_5 = arith.constant 125 : i32
    %scan3A_6 = arith.addi %scan3A, %scan3A_5 : i32
    %scan3A_7 = arith.constant 1 : i32
    scf.for %scan3A_15 = %scan3A to %scan3A_6 step %scan3A_7  : i32 {
      %mul3A_16 = arith.constant 1 : i32
      %mul3A_17 = arith.muli %scan3A_15, %mul3A_16 : i32
      %add3A_18 = arith.constant 0 : i32
      %add3A_19 = arith.addi %add3A_18, %mul3A_17 : i32
      %mul3A_20 = arith.constant 125 : i32
      %mul3A_21 = arith.muli %add3A, %mul3A_20 : i32
      %add3A_22 = arith.addi %mul3A_21, %add3A_19 : i32
      %run_scoped3A = arith.constant 0 : i32
      %run_scoped3A_23 = arith.constant 0 : i32
      "tpu.region"() ({
        %run_scoped3A_28 = tpu.sem_alloc : memref<!tpu.dma_semaphore, #tpu.memory_space<semaphore_mem>>
        %dma_start3A = arith.constant 0 : i32
        %dma_start3A_29 = tpu.memref_slice %arg7[%run_scoped3A_23, %dma_start3A] : memref<2x80xi32, #tpu.memory_space<vmem>> -> memref<1x80xi32, #tpu.memory_space<vmem>>
        %dma_start3A_30 = tpu.memref_squeeze %dma_start3A_29 : memref<1x80xi32, #tpu.memory_space<vmem>> -> memref<80xi32, #tpu.memory_space<vmem>>
        %dma_start3A_31 = arith.constant 0 : i32
        %dma_start3A_32 = tpu.memref_slice %arg2[%run_scoped3A, %add3A_22, %dma_start3A_31] : memref<2x4000x80xi32, #tpu.memory_space<hbm>> -> memref<1x1x80xi32, #tpu.memory_space<hbm>>
        %dma_start3A_33 = tpu.memref_squeeze %dma_start3A_32 : memref<1x1x80xi32, #tpu.memory_space<hbm>> -> memref<80xi32, #tpu.memory_space<hbm>>
        %dma_start3A_34 = arith.constant 0 : i32
        %dma_start3A_35 = tpu.memref_slice %arg7[%run_scoped3A_23, %dma_start3A_34] : memref<2x80xi32, #tpu.memory_space<vmem>> -> memref<1x80xi32, #tpu.memory_space<vmem>>
        %dma_start3A_36 = tpu.memref_squeeze %dma_start3A_35 : memref<1x80xi32, #tpu.memory_space<vmem>> -> memref<80xi32, #tpu.memory_space<vmem>>
        %dma_start3A_37 = arith.constant 0 : i32
        %dma_start3A_38 = tpu.memref_slice %arg2[%run_scoped3A, %add3A_22, %dma_start3A_37] : memref<2x4000x80xi32, #tpu.memory_space<hbm>> -> memref<1x1x80xi32, #tpu.memory_space<hbm>>
        %dma_start3A_39 = tpu.memref_squeeze %dma_start3A_38 : memref<1x1x80xi32, #tpu.memory_space<hbm>> -> memref<80xi32, #tpu.memory_space<hbm>>
        tpu.enqueue_dma source(%dma_start3A_39 : memref<80xi32, #tpu.memory_space<hbm>>) target(%dma_start3A_36 : memref<80xi32, #tpu.memory_space<vmem>>) target_semaphore(%run_scoped3A_28 : memref<!tpu.dma_semaphore, #tpu.memory_space<semaphore_mem>>)
        %dma_wait3A = arith.constant 0 : i32
        %dma_wait3A_40 = tpu.memref_slice %arg7[%run_scoped3A_23, %dma_wait3A] : memref<2x80xi32, #tpu.memory_space<vmem>> -> memref<1x80xi32, #tpu.memory_space<vmem>>
        %dma_wait3A_41 = tpu.memref_squeeze %dma_wait3A_40 : memref<1x80xi32, #tpu.memory_space<vmem>> -> memref<80xi32, #tpu.memory_space<vmem>>
        %dma_wait3A_42 = arith.constant 0 : i32
        %dma_wait3A_43 = tpu.memref_slice %arg2[%run_scoped3A, %add3A_22, %dma_wait3A_42] : memref<2x4000x80xi32, #tpu.memory_space<hbm>> -> memref<1x1x80xi32, #tpu.memory_space<hbm>>
        %dma_wait3A_44 = tpu.memref_squeeze %dma_wait3A_43 : memref<1x1x80xi32, #tpu.memory_space<hbm>> -> memref<80xi32, #tpu.memory_space<hbm>>
        %dma_wait3A_45 = arith.constant 0 : i32
        %dma_wait3A_46 = tpu.memref_slice %arg7[%run_scoped3A_23, %dma_wait3A_45] : memref<2x80xi32, #tpu.memory_space<vmem>> -> memref<1x80xi32, #tpu.memory_space<vmem>>
        %dma_wait3A_47 = tpu.memref_squeeze %dma_wait3A_46 : memref<1x80xi32, #tpu.memory_space<vmem>> -> memref<80xi32, #tpu.memory_space<vmem>>
        %dma_wait3A_48 = arith.constant 0 : i32
        %dma_wait3A_49 = tpu.memref_slice %arg2[%run_scoped3A, %add3A_22, %dma_wait3A_48] : memref<2x4000x80xi32, #tpu.memory_space<hbm>> -> memref<1x1x80xi32, #tpu.memory_space<hbm>>
        %dma_wait3A_50 = tpu.memref_squeeze %dma_wait3A_49 : memref<1x1x80xi32, #tpu.memory_space<hbm>> -> memref<80xi32, #tpu.memory_space<hbm>>
        tpu.wait_dma2 semaphore(%run_scoped3A_28 : memref<!tpu.dma_semaphore, #tpu.memory_space<semaphore_mem>>) src(%dma_wait3A_50 : memref<80xi32, #tpu.memory_space<hbm>>) dst(%dma_wait3A_47 : memref<80xi32, #tpu.memory_space<vmem>>)
        tpu.yield
      }) : () -> ()
      %run_scoped3A_24 = arith.constant 1 : i32
      %run_scoped3A_25 = arith.constant 1 : i32
      "tpu.region"() ({
        %run_scoped3A_28 = tpu.sem_alloc : memref<!tpu.dma_semaphore, #tpu.memory_space<semaphore_mem>>
        %dma_start3A = arith.constant 0 : i32
        %dma_start3A_29 = tpu.memref_slice %arg7[%run_scoped3A_25, %dma_start3A] : memref<2x80xi32, #tpu.memory_space<vmem>> -> memref<1x80xi32, #tpu.memory_space<vmem>>
        %dma_start3A_30 = tpu.memref_squeeze %dma_start3A_29 : memref<1x80xi32, #tpu.memory_space<vmem>> -> memref<80xi32, #tpu.memory_space<vmem>>
        %dma_start3A_31 = arith.constant 0 : i32
        %dma_start3A_32 = tpu.memref_slice %arg2[%run_scoped3A_24, %add3A_22, %dma_start3A_31] : memref<2x4000x80xi32, #tpu.memory_space<hbm>> -> memref<1x1x80xi32, #tpu.memory_space<hbm>>
        %dma_start3A_33 = tpu.memref_squeeze %dma_start3A_32 : memref<1x1x80xi32, #tpu.memory_space<hbm>> -> memref<80xi32, #tpu.memory_space<hbm>>
        %dma_start3A_34 = arith.constant 0 : i32
        %dma_start3A_35 = tpu.memref_slice %arg7[%run_scoped3A_25, %dma_start3A_34] : memref<2x80xi32, #tpu.memory_space<vmem>> -> memref<1x80xi32, #tpu.memory_space<vmem>>
        %dma_start3A_36 = tpu.memref_squeeze %dma_start3A_35 : memref<1x80xi32, #tpu.memory_space<vmem>> -> memref<80xi32, #tpu.memory_space<vmem>>
        %dma_start3A_37 = arith.constant 0 : i32
        %dma_start3A_38 = tpu.memref_slice %arg2[%run_scoped3A_24, %add3A_22, %dma_start3A_37] : memref<2x4000x80xi32, #tpu.memory_space<hbm>> -> memref<1x1x80xi32, #tpu.memory_space<hbm>>
        %dma_start3A_39 = tpu.memref_squeeze %dma_start3A_38 : memref<1x1x80xi32, #tpu.memory_space<hbm>> -> memref<80xi32, #tpu.memory_space<hbm>>
        tpu.enqueue_dma source(%dma_start3A_39 : memref<80xi32, #tpu.memory_space<hbm>>) target(%dma_start3A_36 : memref<80xi32, #tpu.memory_space<vmem>>) target_semaphore(%run_scoped3A_28 : memref<!tpu.dma_semaphore, #tpu.memory_space<semaphore_mem>>)
        %dma_wait3A = arith.constant 0 : i32
        %dma_wait3A_40 = tpu.memref_slice %arg7[%run_scoped3A_25, %dma_wait3A] : memref<2x80xi32, #tpu.memory_space<vmem>> -> memref<1x80xi32, #tpu.memory_space<vmem>>
        %dma_wait3A_41 = tpu.memref_squeeze %dma_wait3A_40 : memref<1x80xi32, #tpu.memory_space<vmem>> -> memref<80xi32, #tpu.memory_space<vmem>>
        %dma_wait3A_42 = arith.constant 0 : i32
        %dma_wait3A_43 = tpu.memref_slice %arg2[%run_scoped3A_24, %add3A_22, %dma_wait3A_42] : memref<2x4000x80xi32, #tpu.memory_space<hbm>> -> memref<1x1x80xi32, #tpu.memory_space<hbm>>
        %dma_wait3A_44 = tpu.memref_squeeze %dma_wait3A_43 : memref<1x1x80xi32, #tpu.memory_space<hbm>> -> memref<80xi32, #tpu.memory_space<hbm>>
        %dma_wait3A_45 = arith.constant 0 : i32
        %dma_wait3A_46 = tpu.memref_slice %arg7[%run_scoped3A_25, %dma_wait3A_45] : memref<2x80xi32, #tpu.memory_space<vmem>> -> memref<1x80xi32, #tpu.memory_space<vmem>>
        %dma_wait3A_47 = tpu.memref_squeeze %dma_wait3A_46 : memref<1x80xi32, #tpu.memory_space<vmem>> -> memref<80xi32, #tpu.memory_space<vmem>>
        %dma_wait3A_48 = arith.constant 0 : i32
        %dma_wait3A_49 = tpu.memref_slice %arg2[%run_scoped3A_24, %add3A_22, %dma_wait3A_48] : memref<2x4000x80xi32, #tpu.memory_space<hbm>> -> memref<1x1x80xi32, #tpu.memory_space<hbm>>
        %dma_wait3A_50 = tpu.memref_squeeze %dma_wait3A_49 : memref<1x1x80xi32, #tpu.memory_space<hbm>> -> memref<80xi32, #tpu.memory_space<hbm>>
        tpu.wait_dma2 semaphore(%run_scoped3A_28 : memref<!tpu.dma_semaphore, #tpu.memory_space<semaphore_mem>>) src(%dma_wait3A_50 : memref<80xi32, #tpu.memory_space<hbm>>) dst(%dma_wait3A_47 : memref<80xi32, #tpu.memory_space<vmem>>)
        tpu.yield
      }) : () -> ()
      %run_scoped3A_26 = arith.constant 0 : i32
      "tpu.region"() ({
        %run_scoped3A_28 = tpu.sem_alloc : memref<!tpu.dma_semaphore, #tpu.memory_space<semaphore_mem>>
        %dma_start3A = arith.constant 0 : i32
        %dma_start3A_29 = tpu.memref_slice %arg7[%run_scoped3A_26, %dma_start3A] : memref<2x80xi32, #tpu.memory_space<vmem>> -> memref<1x80xi32, #tpu.memory_space<vmem>>
        %dma_start3A_30 = tpu.memref_squeeze %dma_start3A_29 : memref<1x80xi32, #tpu.memory_space<vmem>> -> memref<80xi32, #tpu.memory_space<vmem>>
        %dma_start3A_31 = arith.constant 0 : i32
        %dma_start3A_32 = arith.constant 0 : i32
        %dma_start3A_33 = tpu.memref_slice %arg3[%dma_start3A_31, %dma_start3A_32] : memref<10000x128xf32, #tpu.memory_space<hbm>> -> memref<10000x128xf32, #tpu.memory_space<hbm>>
        tpu.enqueue_indirect_dma source(%dma_start3A_33 : memref<10000x128xf32, #tpu.memory_space<hbm>>) target(%arg8 : memref<80x128xf32, #tpu.memory_space<vmem>>) offsets(%dma_start3A_30 : memref<80xi32, #tpu.memory_space<vmem>>) semaphore(%run_scoped3A_28 : memref<!tpu.dma_semaphore, #tpu.memory_space<semaphore_mem>>)
        %dma_wait3A = arith.constant 0 : i32
        %dma_wait3A_34 = tpu.memref_slice %arg7[%run_scoped3A_26, %dma_wait3A] : memref<2x80xi32, #tpu.memory_space<vmem>> -> memref<1x80xi32, #tpu.memory_space<vmem>>
        %dma_wait3A_35 = tpu.memref_squeeze %dma_wait3A_34 : memref<1x80xi32, #tpu.memory_space<vmem>> -> memref<80xi32, #tpu.memory_space<vmem>>
        %dma_wait3A_36 = arith.constant 0 : i32
        %dma_wait3A_37 = arith.constant 0 : i32
        %dma_wait3A_38 = tpu.memref_slice %arg3[%dma_wait3A_36, %dma_wait3A_37] : memref<10000x128xf32, #tpu.memory_space<hbm>> -> memref<10000x128xf32, #tpu.memory_space<hbm>>
        tpu.wait_indirect_dma semaphore(%run_scoped3A_28 : memref<!tpu.dma_semaphore, #tpu.memory_space<semaphore_mem>>) src(%dma_wait3A_38 : memref<10000x128xf32, #tpu.memory_space<hbm>>) dst(%arg8 : memref<80x128xf32, #tpu.memory_space<vmem>>)
        tpu.yield
      }) : () -> ()
      %run_scoped3A_27 = arith.constant 1 : i32
      "tpu.region"() ({
        %run_scoped3A_28 = tpu.sem_alloc : memref<!tpu.dma_semaphore, #tpu.memory_space<semaphore_mem>>
        %dma_start3A = arith.constant 0 : i32
        %dma_start3A_29 = tpu.memref_slice %arg7[%run_scoped3A_27, %dma_start3A] : memref<2x80xi32, #tpu.memory_space<vmem>> -> memref<1x80xi32, #tpu.memory_space<vmem>>
        %dma_start3A_30 = tpu.memref_squeeze %dma_start3A_29 : memref<1x80xi32, #tpu.memory_space<vmem>> -> memref<80xi32, #tpu.memory_space<vmem>>
        %dma_start3A_31 = arith.constant 0 : i32
        %dma_start3A_32 = arith.constant 0 : i32
        %dma_start3A_33 = tpu.memref_slice %arg6[%dma_start3A_31, %dma_start3A_32] : memref<10240x128xf32, #tpu.memory_space<vmem_shared>> -> memref<10240x128xf32, #tpu.memory_space<vmem_shared>>
        tpu.enqueue_indirect_dma source(%arg8 : memref<80x128xf32, #tpu.memory_space<vmem>>) target(%dma_start3A_33 : memref<10240x128xf32, #tpu.memory_space<vmem_shared>>) offsets(%dma_start3A_30 : memref<80xi32, #tpu.memory_space<vmem>>) semaphore(%run_scoped3A_28 : memref<!tpu.dma_semaphore, #tpu.memory_space<semaphore_mem>>) {add = true}
        %dma_wait3A = arith.constant 0 : i32
        %dma_wait3A_34 = tpu.memref_slice %arg7[%run_scoped3A_27, %dma_wait3A] : memref<2x80xi32, #tpu.memory_space<vmem>> -> memref<1x80xi32, #tpu.memory_space<vmem>>
        %dma_wait3A_35 = tpu.memref_squeeze %dma_wait3A_34 : memref<1x80xi32, #tpu.memory_space<vmem>> -> memref<80xi32, #tpu.memory_space<vmem>>
        %dma_wait3A_36 = arith.constant 0 : i32
        %dma_wait3A_37 = arith.constant 0 : i32
        %dma_wait3A_38 = tpu.memref_slice %arg6[%dma_wait3A_36, %dma_wait3A_37] : memref<10240x128xf32, #tpu.memory_space<vmem_shared>> -> memref<10240x128xf32, #tpu.memory_space<vmem_shared>>
        tpu.wait_indirect_dma semaphore(%run_scoped3A_28 : memref<!tpu.dma_semaphore, #tpu.memory_space<semaphore_mem>>) src(%arg8 : memref<80x128xf32, #tpu.memory_space<vmem>>) dst(%dma_wait3A_38 : memref<10240x128xf32, #tpu.memory_space<vmem_shared>>)
        tpu.yield
      }) : () -> ()
    }
    %scan3A_8 = arith.constant 125 : i32
    %barrier3A_9 = arith.constant 0 : index
    tpu.barrier barrier_id(%barrier3A_9)
    %scan3A_10 = arith.constant 0 : i32
    %scan3A_11 = arith.constant 8 : i32
    %scan3A_12 = arith.addi %scan3A_10, %scan3A_11 : i32
    %scan3A_13 = arith.constant 1 : i32
    scf.for %scan3A_15 = %scan3A_10 to %scan3A_12 step %scan3A_13  : i32 {
      %mul3A_16 = arith.constant 1 : i32
      %mul3A_17 = arith.muli %scan3A_15, %mul3A_16 : i32
      %add3A_18 = arith.constant 0 : i32
      %add3A_19 = arith.addi %add3A_18, %mul3A_17 : i32
      %mul3A_20 = arith.constant 640 : i32
      %mul3A_21 = arith.muli %arg1, %mul3A_20 : i32
      %mul3A_22 = arith.constant 80 : i32
      %mul3A_23 = arith.muli %add3A_19, %mul3A_22 : i32
      %add3A_24 = arith.addi %mul3A_21, %mul3A_23 : i32
      "tpu.region"() ({
        %run_scoped3A = tpu.sem_alloc : memref<!tpu.dma_semaphore, #tpu.memory_space<semaphore_mem>>
        %dma_start3A = arith.constant 0 : i32
        %dma_start3A_25 = tpu.memref_slice %arg6[%add3A_24, %dma_start3A] : memref<10240x128xf32, #tpu.memory_space<vmem_shared>> -> memref<80x128xf32, #tpu.memory_space<vmem_shared>>
        %dma_start3A_26 = arith.constant 0 : i32
        %dma_start3A_27 = tpu.memref_slice %arg6[%add3A_24, %dma_start3A_26] : memref<10240x128xf32, #tpu.memory_space<vmem_shared>> -> memref<80x128xf32, #tpu.memory_space<vmem_shared>>
        tpu.enqueue_dma source(%dma_start3A_27 : memref<80x128xf32, #tpu.memory_space<vmem_shared>>) target(%arg9 : memref<80x128xf32, #tpu.memory_space<vmem>>) target_semaphore(%run_scoped3A : memref<!tpu.dma_semaphore, #tpu.memory_space<semaphore_mem>>)
        %dma_wait3A = arith.constant 0 : i32
        %dma_wait3A_28 = tpu.memref_slice %arg6[%add3A_24, %dma_wait3A] : memref<10240x128xf32, #tpu.memory_space<vmem_shared>> -> memref<80x128xf32, #tpu.memory_space<vmem_shared>>
        %dma_wait3A_29 = arith.constant 0 : i32
        %dma_wait3A_30 = tpu.memref_slice %arg6[%add3A_24, %dma_wait3A_29] : memref<10240x128xf32, #tpu.memory_space<vmem_shared>> -> memref<80x128xf32, #tpu.memory_space<vmem_shared>>
        tpu.wait_dma2 semaphore(%run_scoped3A : memref<!tpu.dma_semaphore, #tpu.memory_space<semaphore_mem>>) src(%dma_wait3A_30 : memref<80x128xf32, #tpu.memory_space<vmem_shared>>) dst(%arg9 : memref<80x128xf32, #tpu.memory_space<vmem>>)
        tpu.yield
      }) : () -> ()
      "tpu.region"() ({
        %run_scoped3A = tpu.sem_alloc : memref<!tpu.dma_semaphore, #tpu.memory_space<semaphore_mem>>
        %dma_start3A = arith.constant 0 : i32
        %dma_start3A_25 = tpu.memref_slice %arg5[%arg0, %add3A_24, %dma_start3A] : memref<2x10240x128xf32, #tpu.memory_space<hbm>> -> memref<1x80x128xf32, #tpu.memory_space<hbm>>
        %dma_start3A_26 = tpu.memref_squeeze %dma_start3A_25 : memref<1x80x128xf32, #tpu.memory_space<hbm>> -> memref<80x128xf32, #tpu.memory_space<hbm>>
        %dma_start3A_27 = arith.constant 0 : i32
        %dma_start3A_28 = tpu.memref_slice %arg5[%arg0, %add3A_24, %dma_start3A_27] : memref<2x10240x128xf32, #tpu.memory_space<hbm>> -> memref<1x80x128xf32, #tpu.memory_space<hbm>>
        %dma_start3A_29 = tpu.memref_squeeze %dma_start3A_28 : memref<1x80x128xf32, #tpu.memory_space<hbm>> -> memref<80x128xf32, #tpu.memory_space<hbm>>
        tpu.enqueue_dma source(%arg9 : memref<80x128xf32, #tpu.memory_space<vmem>>) target(%dma_start3A_29 : memref<80x128xf32, #tpu.memory_space<hbm>>) target_semaphore(%run_scoped3A : memref<!tpu.dma_semaphore, #tpu.memory_space<semaphore_mem>>)
        %dma_wait3A = arith.constant 0 : i32
        %dma_wait3A_30 = tpu.memref_slice %arg5[%arg0, %add3A_24, %dma_wait3A] : memref<2x10240x128xf32, #tpu.memory_space<hbm>> -> memref<1x80x128xf32, #tpu.memory_space<hbm>>
        %dma_wait3A_31 = tpu.memref_squeeze %dma_wait3A_30 : memref<1x80x128xf32, #tpu.memory_space<hbm>> -> memref<80x128xf32, #tpu.memory_space<hbm>>
        %dma_wait3A_32 = arith.constant 0 : i32
        %dma_wait3A_33 = tpu.memref_slice %arg5[%arg0, %add3A_24, %dma_wait3A_32] : memref<2x10240x128xf32, #tpu.memory_space<hbm>> -> memref<1x80x128xf32, #tpu.memory_space<hbm>>
        %dma_wait3A_34 = tpu.memref_squeeze %dma_wait3A_33 : memref<1x80x128xf32, #tpu.memory_space<hbm>> -> memref<80x128xf32, #tpu.memory_space<hbm>>
        tpu.wait_dma2 semaphore(%run_scoped3A : memref<!tpu.dma_semaphore, #tpu.memory_space<semaphore_mem>>) src(%arg9 : memref<80x128xf32, #tpu.memory_space<vmem>>) dst(%dma_wait3A_34 : memref<80x128xf32, #tpu.memory_space<hbm>>)
        tpu.yield
      }) : () -> ()
    }
    %scan3A_14 = arith.constant 8 : i32
    return
  }
}

#map = affine_map<(d0, d1) -> (0, 0, 0)>
#map1 = affine_map<(d0, d1) -> (0, 0)>
module attributes {stable_mosaic.version = 14 : i64} {
  func.func @_sc_agg_body(%arg0: i32, %arg1: i32, %arg2: memref<2x4000x80xi32, #tpu.memory_space<hbm>>, %arg3: memref<10000x128xf32, #tpu.memory_space<hbm>>, %arg4: memref<10240x128xf32, #tpu.memory_space<hbm>>, %arg5: memref<2x10240x128xf32, #tpu.memory_space<hbm>>, %arg6: memref<10240x128xf32, #tpu.memory_space<vmem_shared>>, %arg7: memref<2x80xi32, #tpu.memory_space<vmem>>, %arg8: memref<80x128xf32, #tpu.memory_space<vmem>>, %arg9: memref<80x128xf32, #tpu.memory_space<vmem>>) attributes {dimension_semantics = [#tpu.dimension_semantics<core_parallel>, #tpu.dimension_semantics<subcore_parallel>], iteration_bounds = array<i64: 2, 16>, scalar_prefetch = 0 : i64, scratch_operands = 4 : i64, tpu.core_type = #tpu.core_type<sc_vector_subcore>, window_params = [{transform_indices = #map}, {transform_indices = #map1}, {transform_indices = #map1}, {transform_indices = #map}]} {
    %mul3A = arith.constant 2 : i32
    %mul3A_0 = arith.muli %arg1, %mul3A : i32
    %add3A = arith.addi %mul3A_0, %arg0 : i32
    %mul3A_1 = arith.constant 640 : i32
    %mul3A_2 = arith.muli %arg1, %mul3A_1 : i32
    %mul3A_3 = arith.constant 640 : i32
    %mul3A_4 = arith.muli %arg1, %mul3A_3 : i32
    "tpu.region"() ({
      %run_scoped3A = tpu.sem_alloc : memref<!tpu.dma_semaphore, #tpu.memory_space<semaphore_mem>>
      %dma_start3A = arith.constant 0 : i32
      %dma_start3A_15 = tpu.memref_slice %arg6[%mul3A_4, %dma_start3A] : memref<10240x128xf32, #tpu.memory_space<vmem_shared>> -> memref<640x128xf32, #tpu.memory_space<vmem_shared>>
      %dma_start3A_16 = arith.constant 0 : i32
      %dma_start3A_17 = tpu.memref_slice %arg4[%mul3A_2, %dma_start3A_16] : memref<10240x128xf32, #tpu.memory_space<hbm>> -> memref<640x128xf32, #tpu.memory_space<hbm>>
      tpu.enqueue_dma source(%dma_start3A_17 : memref<640x128xf32, #tpu.memory_space<hbm>>) target(%dma_start3A_15 : memref<640x128xf32, #tpu.memory_space<vmem_shared>>) target_semaphore(%run_scoped3A : memref<!tpu.dma_semaphore, #tpu.memory_space<semaphore_mem>>)
      %dma_wait3A = arith.constant 0 : i32
      %dma_wait3A_18 = tpu.memref_slice %arg6[%mul3A_4, %dma_wait3A] : memref<10240x128xf32, #tpu.memory_space<vmem_shared>> -> memref<640x128xf32, #tpu.memory_space<vmem_shared>>
      %dma_wait3A_19 = arith.constant 0 : i32
      %dma_wait3A_20 = tpu.memref_slice %arg4[%mul3A_2, %dma_wait3A_19] : memref<10240x128xf32, #tpu.memory_space<hbm>> -> memref<640x128xf32, #tpu.memory_space<hbm>>
      tpu.wait_dma2 semaphore(%run_scoped3A : memref<!tpu.dma_semaphore, #tpu.memory_space<semaphore_mem>>) src(%dma_wait3A_20 : memref<640x128xf32, #tpu.memory_space<hbm>>) dst(%dma_wait3A_18 : memref<640x128xf32, #tpu.memory_space<vmem_shared>>)
      tpu.yield
    }) : () -> ()
    %barrier3A = arith.constant 0 : index
    tpu.barrier barrier_id(%barrier3A)
    %scan3A = arith.constant 0 : i32
    %scan3A_5 = arith.constant 125 : i32
    %scan3A_6 = arith.addi %scan3A, %scan3A_5 : i32
    %scan3A_7 = arith.constant 1 : i32
    scf.for %scan3A_15 = %scan3A to %scan3A_6 step %scan3A_7  : i32 {
      %mul3A_16 = arith.constant 1 : i32
      %mul3A_17 = arith.muli %scan3A_15, %mul3A_16 : i32
      %add3A_18 = arith.constant 0 : i32
      %add3A_19 = arith.addi %add3A_18, %mul3A_17 : i32
      %mul3A_20 = arith.constant 125 : i32
      %mul3A_21 = arith.muli %add3A, %mul3A_20 : i32
      %add3A_22 = arith.addi %mul3A_21, %add3A_19 : i32
      %run_scoped3A = arith.constant 0 : i32
      %run_scoped3A_23 = arith.constant 0 : i32
      "tpu.region"() ({
        %run_scoped3A_28 = tpu.sem_alloc : memref<!tpu.dma_semaphore, #tpu.memory_space<semaphore_mem>>
        %dma_start3A = arith.constant 0 : i32
        %dma_start3A_29 = tpu.memref_slice %arg7[%run_scoped3A_23, %dma_start3A] : memref<2x80xi32, #tpu.memory_space<vmem>> -> memref<1x80xi32, #tpu.memory_space<vmem>>
        %dma_start3A_30 = tpu.memref_squeeze %dma_start3A_29 : memref<1x80xi32, #tpu.memory_space<vmem>> -> memref<80xi32, #tpu.memory_space<vmem>>
        %dma_start3A_31 = arith.constant 0 : i32
        %dma_start3A_32 = tpu.memref_slice %arg2[%run_scoped3A, %add3A_22, %dma_start3A_31] : memref<2x4000x80xi32, #tpu.memory_space<hbm>> -> memref<1x1x80xi32, #tpu.memory_space<hbm>>
        %dma_start3A_33 = tpu.memref_squeeze %dma_start3A_32 : memref<1x1x80xi32, #tpu.memory_space<hbm>> -> memref<80xi32, #tpu.memory_space<hbm>>
        %dma_start3A_34 = arith.constant 0 : i32
        %dma_start3A_35 = tpu.memref_slice %arg7[%run_scoped3A_23, %dma_start3A_34] : memref<2x80xi32, #tpu.memory_space<vmem>> -> memref<1x80xi32, #tpu.memory_space<vmem>>
        %dma_start3A_36 = tpu.memref_squeeze %dma_start3A_35 : memref<1x80xi32, #tpu.memory_space<vmem>> -> memref<80xi32, #tpu.memory_space<vmem>>
        %dma_start3A_37 = arith.constant 0 : i32
        %dma_start3A_38 = tpu.memref_slice %arg2[%run_scoped3A, %add3A_22, %dma_start3A_37] : memref<2x4000x80xi32, #tpu.memory_space<hbm>> -> memref<1x1x80xi32, #tpu.memory_space<hbm>>
        %dma_start3A_39 = tpu.memref_squeeze %dma_start3A_38 : memref<1x1x80xi32, #tpu.memory_space<hbm>> -> memref<80xi32, #tpu.memory_space<hbm>>
        tpu.enqueue_dma source(%dma_start3A_39 : memref<80xi32, #tpu.memory_space<hbm>>) target(%dma_start3A_36 : memref<80xi32, #tpu.memory_space<vmem>>) target_semaphore(%run_scoped3A_28 : memref<!tpu.dma_semaphore, #tpu.memory_space<semaphore_mem>>)
        %dma_wait3A = arith.constant 0 : i32
        %dma_wait3A_40 = tpu.memref_slice %arg7[%run_scoped3A_23, %dma_wait3A] : memref<2x80xi32, #tpu.memory_space<vmem>> -> memref<1x80xi32, #tpu.memory_space<vmem>>
        %dma_wait3A_41 = tpu.memref_squeeze %dma_wait3A_40 : memref<1x80xi32, #tpu.memory_space<vmem>> -> memref<80xi32, #tpu.memory_space<vmem>>
        %dma_wait3A_42 = arith.constant 0 : i32
        %dma_wait3A_43 = tpu.memref_slice %arg2[%run_scoped3A, %add3A_22, %dma_wait3A_42] : memref<2x4000x80xi32, #tpu.memory_space<hbm>> -> memref<1x1x80xi32, #tpu.memory_space<hbm>>
        %dma_wait3A_44 = tpu.memref_squeeze %dma_wait3A_43 : memref<1x1x80xi32, #tpu.memory_space<hbm>> -> memref<80xi32, #tpu.memory_space<hbm>>
        %dma_wait3A_45 = arith.constant 0 : i32
        %dma_wait3A_46 = tpu.memref_slice %arg7[%run_scoped3A_23, %dma_wait3A_45] : memref<2x80xi32, #tpu.memory_space<vmem>> -> memref<1x80xi32, #tpu.memory_space<vmem>>
        %dma_wait3A_47 = tpu.memref_squeeze %dma_wait3A_46 : memref<1x80xi32, #tpu.memory_space<vmem>> -> memref<80xi32, #tpu.memory_space<vmem>>
        %dma_wait3A_48 = arith.constant 0 : i32
        %dma_wait3A_49 = tpu.memref_slice %arg2[%run_scoped3A, %add3A_22, %dma_wait3A_48] : memref<2x4000x80xi32, #tpu.memory_space<hbm>> -> memref<1x1x80xi32, #tpu.memory_space<hbm>>
        %dma_wait3A_50 = tpu.memref_squeeze %dma_wait3A_49 : memref<1x1x80xi32, #tpu.memory_space<hbm>> -> memref<80xi32, #tpu.memory_space<hbm>>
        tpu.wait_dma2 semaphore(%run_scoped3A_28 : memref<!tpu.dma_semaphore, #tpu.memory_space<semaphore_mem>>) src(%dma_wait3A_50 : memref<80xi32, #tpu.memory_space<hbm>>) dst(%dma_wait3A_47 : memref<80xi32, #tpu.memory_space<vmem>>)
        tpu.yield
      }) : () -> ()
      %run_scoped3A_24 = arith.constant 1 : i32
      %run_scoped3A_25 = arith.constant 1 : i32
      "tpu.region"() ({
        %run_scoped3A_28 = tpu.sem_alloc : memref<!tpu.dma_semaphore, #tpu.memory_space<semaphore_mem>>
        %dma_start3A = arith.constant 0 : i32
        %dma_start3A_29 = tpu.memref_slice %arg7[%run_scoped3A_25, %dma_start3A] : memref<2x80xi32, #tpu.memory_space<vmem>> -> memref<1x80xi32, #tpu.memory_space<vmem>>
        %dma_start3A_30 = tpu.memref_squeeze %dma_start3A_29 : memref<1x80xi32, #tpu.memory_space<vmem>> -> memref<80xi32, #tpu.memory_space<vmem>>
        %dma_start3A_31 = arith.constant 0 : i32
        %dma_start3A_32 = tpu.memref_slice %arg2[%run_scoped3A_24, %add3A_22, %dma_start3A_31] : memref<2x4000x80xi32, #tpu.memory_space<hbm>> -> memref<1x1x80xi32, #tpu.memory_space<hbm>>
        %dma_start3A_33 = tpu.memref_squeeze %dma_start3A_32 : memref<1x1x80xi32, #tpu.memory_space<hbm>> -> memref<80xi32, #tpu.memory_space<hbm>>
        %dma_start3A_34 = arith.constant 0 : i32
        %dma_start3A_35 = tpu.memref_slice %arg7[%run_scoped3A_25, %dma_start3A_34] : memref<2x80xi32, #tpu.memory_space<vmem>> -> memref<1x80xi32, #tpu.memory_space<vmem>>
        %dma_start3A_36 = tpu.memref_squeeze %dma_start3A_35 : memref<1x80xi32, #tpu.memory_space<vmem>> -> memref<80xi32, #tpu.memory_space<vmem>>
        %dma_start3A_37 = arith.constant 0 : i32
        %dma_start3A_38 = tpu.memref_slice %arg2[%run_scoped3A_24, %add3A_22, %dma_start3A_37] : memref<2x4000x80xi32, #tpu.memory_space<hbm>> -> memref<1x1x80xi32, #tpu.memory_space<hbm>>
        %dma_start3A_39 = tpu.memref_squeeze %dma_start3A_38 : memref<1x1x80xi32, #tpu.memory_space<hbm>> -> memref<80xi32, #tpu.memory_space<hbm>>
        tpu.enqueue_dma source(%dma_start3A_39 : memref<80xi32, #tpu.memory_space<hbm>>) target(%dma_start3A_36 : memref<80xi32, #tpu.memory_space<vmem>>) target_semaphore(%run_scoped3A_28 : memref<!tpu.dma_semaphore, #tpu.memory_space<semaphore_mem>>)
        %dma_wait3A = arith.constant 0 : i32
        %dma_wait3A_40 = tpu.memref_slice %arg7[%run_scoped3A_25, %dma_wait3A] : memref<2x80xi32, #tpu.memory_space<vmem>> -> memref<1x80xi32, #tpu.memory_space<vmem>>
        %dma_wait3A_41 = tpu.memref_squeeze %dma_wait3A_40 : memref<1x80xi32, #tpu.memory_space<vmem>> -> memref<80xi32, #tpu.memory_space<vmem>>
        %dma_wait3A_42 = arith.constant 0 : i32
        %dma_wait3A_43 = tpu.memref_slice %arg2[%run_scoped3A_24, %add3A_22, %dma_wait3A_42] : memref<2x4000x80xi32, #tpu.memory_space<hbm>> -> memref<1x1x80xi32, #tpu.memory_space<hbm>>
        %dma_wait3A_44 = tpu.memref_squeeze %dma_wait3A_43 : memref<1x1x80xi32, #tpu.memory_space<hbm>> -> memref<80xi32, #tpu.memory_space<hbm>>
        %dma_wait3A_45 = arith.constant 0 : i32
        %dma_wait3A_46 = tpu.memref_slice %arg7[%run_scoped3A_25, %dma_wait3A_45] : memref<2x80xi32, #tpu.memory_space<vmem>> -> memref<1x80xi32, #tpu.memory_space<vmem>>
        %dma_wait3A_47 = tpu.memref_squeeze %dma_wait3A_46 : memref<1x80xi32, #tpu.memory_space<vmem>> -> memref<80xi32, #tpu.memory_space<vmem>>
        %dma_wait3A_48 = arith.constant 0 : i32
        %dma_wait3A_49 = tpu.memref_slice %arg2[%run_scoped3A_24, %add3A_22, %dma_wait3A_48] : memref<2x4000x80xi32, #tpu.memory_space<hbm>> -> memref<1x1x80xi32, #tpu.memory_space<hbm>>
        %dma_wait3A_50 = tpu.memref_squeeze %dma_wait3A_49 : memref<1x1x80xi32, #tpu.memory_space<hbm>> -> memref<80xi32, #tpu.memory_space<hbm>>
        tpu.wait_dma2 semaphore(%run_scoped3A_28 : memref<!tpu.dma_semaphore, #tpu.memory_space<semaphore_mem>>) src(%dma_wait3A_50 : memref<80xi32, #tpu.memory_space<hbm>>) dst(%dma_wait3A_47 : memref<80xi32, #tpu.memory_space<vmem>>)
        tpu.yield
      }) : () -> ()
      %run_scoped3A_26 = arith.constant 0 : i32
      "tpu.region"() ({
        %run_scoped3A_28 = tpu.sem_alloc : memref<!tpu.dma_semaphore, #tpu.memory_space<semaphore_mem>>
        %dma_start3A = arith.constant 0 : i32
        %dma_start3A_29 = tpu.memref_slice %arg7[%run_scoped3A_26, %dma_start3A] : memref<2x80xi32, #tpu.memory_space<vmem>> -> memref<1x80xi32, #tpu.memory_space<vmem>>
        %dma_start3A_30 = tpu.memref_squeeze %dma_start3A_29 : memref<1x80xi32, #tpu.memory_space<vmem>> -> memref<80xi32, #tpu.memory_space<vmem>>
        %dma_start3A_31 = arith.constant 0 : i32
        %dma_start3A_32 = arith.constant 0 : i32
        %dma_start3A_33 = tpu.memref_slice %arg3[%dma_start3A_31, %dma_start3A_32] : memref<10000x128xf32, #tpu.memory_space<hbm>> -> memref<10000x128xf32, #tpu.memory_space<hbm>>
        tpu.enqueue_indirect_dma source(%dma_start3A_33 : memref<10000x128xf32, #tpu.memory_space<hbm>>) target(%arg8 : memref<80x128xf32, #tpu.memory_space<vmem>>) offsets(%dma_start3A_30 : memref<80xi32, #tpu.memory_space<vmem>>) semaphore(%run_scoped3A_28 : memref<!tpu.dma_semaphore, #tpu.memory_space<semaphore_mem>>)
        %dma_wait3A = arith.constant 0 : i32
        %dma_wait3A_34 = tpu.memref_slice %arg7[%run_scoped3A_26, %dma_wait3A] : memref<2x80xi32, #tpu.memory_space<vmem>> -> memref<1x80xi32, #tpu.memory_space<vmem>>
        %dma_wait3A_35 = tpu.memref_squeeze %dma_wait3A_34 : memref<1x80xi32, #tpu.memory_space<vmem>> -> memref<80xi32, #tpu.memory_space<vmem>>
        %dma_wait3A_36 = arith.constant 0 : i32
        %dma_wait3A_37 = arith.constant 0 : i32
        %dma_wait3A_38 = tpu.memref_slice %arg3[%dma_wait3A_36, %dma_wait3A_37] : memref<10000x128xf32, #tpu.memory_space<hbm>> -> memref<10000x128xf32, #tpu.memory_space<hbm>>
        tpu.wait_indirect_dma semaphore(%run_scoped3A_28 : memref<!tpu.dma_semaphore, #tpu.memory_space<semaphore_mem>>) src(%dma_wait3A_38 : memref<10000x128xf32, #tpu.memory_space<hbm>>) dst(%arg8 : memref<80x128xf32, #tpu.memory_space<vmem>>)
        tpu.yield
      }) : () -> ()
      %run_scoped3A_27 = arith.constant 1 : i32
      "tpu.region"() ({
        %run_scoped3A_28 = tpu.sem_alloc : memref<!tpu.dma_semaphore, #tpu.memory_space<semaphore_mem>>
        %dma_start3A = arith.constant 0 : i32
        %dma_start3A_29 = tpu.memref_slice %arg7[%run_scoped3A_27, %dma_start3A] : memref<2x80xi32, #tpu.memory_space<vmem>> -> memref<1x80xi32, #tpu.memory_space<vmem>>
        %dma_start3A_30 = tpu.memref_squeeze %dma_start3A_29 : memref<1x80xi32, #tpu.memory_space<vmem>> -> memref<80xi32, #tpu.memory_space<vmem>>
        %dma_start3A_31 = arith.constant 0 : i32
        %dma_start3A_32 = arith.constant 0 : i32
        %dma_start3A_33 = tpu.memref_slice %arg6[%dma_start3A_31, %dma_start3A_32] : memref<10240x128xf32, #tpu.memory_space<vmem_shared>> -> memref<10240x128xf32, #tpu.memory_space<vmem_shared>>
        tpu.enqueue_indirect_dma source(%arg8 : memref<80x128xf32, #tpu.memory_space<vmem>>) target(%dma_start3A_33 : memref<10240x128xf32, #tpu.memory_space<vmem_shared>>) offsets(%dma_start3A_30 : memref<80xi32, #tpu.memory_space<vmem>>) semaphore(%run_scoped3A_28 : memref<!tpu.dma_semaphore, #tpu.memory_space<semaphore_mem>>) {add = true}
        %dma_wait3A = arith.constant 0 : i32
        %dma_wait3A_34 = tpu.memref_slice %arg7[%run_scoped3A_27, %dma_wait3A] : memref<2x80xi32, #tpu.memory_space<vmem>> -> memref<1x80xi32, #tpu.memory_space<vmem>>
        %dma_wait3A_35 = tpu.memref_squeeze %dma_wait3A_34 : memref<1x80xi32, #tpu.memory_space<vmem>> -> memref<80xi32, #tpu.memory_space<vmem>>
        %dma_wait3A_36 = arith.constant 0 : i32
        %dma_wait3A_37 = arith.constant 0 : i32
        %dma_wait3A_38 = tpu.memref_slice %arg6[%dma_wait3A_36, %dma_wait3A_37] : memref<10240x128xf32, #tpu.memory_space<vmem_shared>> -> memref<10240x128xf32, #tpu.memory_space<vmem_shared>>
        tpu.wait_indirect_dma semaphore(%run_scoped3A_28 : memref<!tpu.dma_semaphore, #tpu.memory_space<semaphore_mem>>) src(%arg8 : memref<80x128xf32, #tpu.memory_space<vmem>>) dst(%dma_wait3A_38 : memref<10240x128xf32, #tpu.memory_space<vmem_shared>>)
        tpu.yield
      }) : () -> ()
    }
    %scan3A_8 = arith.constant 125 : i32
    %barrier3A_9 = arith.constant 0 : index
    tpu.barrier barrier_id(%barrier3A_9)
    %scan3A_10 = arith.constant 0 : i32
    %scan3A_11 = arith.constant 8 : i32
    %scan3A_12 = arith.addi %scan3A_10, %scan3A_11 : i32
    %scan3A_13 = arith.constant 1 : i32
    scf.for %scan3A_15 = %scan3A_10 to %scan3A_12 step %scan3A_13  : i32 {
      %mul3A_16 = arith.constant 1 : i32
      %mul3A_17 = arith.muli %scan3A_15, %mul3A_16 : i32
      %add3A_18 = arith.constant 0 : i32
      %add3A_19 = arith.addi %add3A_18, %mul3A_17 : i32
      %mul3A_20 = arith.constant 640 : i32
      %mul3A_21 = arith.muli %arg1, %mul3A_20 : i32
      %mul3A_22 = arith.constant 80 : i32
      %mul3A_23 = arith.muli %add3A_19, %mul3A_22 : i32
      %add3A_24 = arith.addi %mul3A_21, %mul3A_23 : i32
      "tpu.region"() ({
        %run_scoped3A = tpu.sem_alloc : memref<!tpu.dma_semaphore, #tpu.memory_space<semaphore_mem>>
        %dma_start3A = arith.constant 0 : i32
        %dma_start3A_25 = tpu.memref_slice %arg6[%add3A_24, %dma_start3A] : memref<10240x128xf32, #tpu.memory_space<vmem_shared>> -> memref<80x128xf32, #tpu.memory_space<vmem_shared>>
        %dma_start3A_26 = arith.constant 0 : i32
        %dma_start3A_27 = tpu.memref_slice %arg6[%add3A_24, %dma_start3A_26] : memref<10240x128xf32, #tpu.memory_space<vmem_shared>> -> memref<80x128xf32, #tpu.memory_space<vmem_shared>>
        tpu.enqueue_dma source(%dma_start3A_27 : memref<80x128xf32, #tpu.memory_space<vmem_shared>>) target(%arg9 : memref<80x128xf32, #tpu.memory_space<vmem>>) target_semaphore(%run_scoped3A : memref<!tpu.dma_semaphore, #tpu.memory_space<semaphore_mem>>)
        %dma_wait3A = arith.constant 0 : i32
        %dma_wait3A_28 = tpu.memref_slice %arg6[%add3A_24, %dma_wait3A] : memref<10240x128xf32, #tpu.memory_space<vmem_shared>> -> memref<80x128xf32, #tpu.memory_space<vmem_shared>>
        %dma_wait3A_29 = arith.constant 0 : i32
        %dma_wait3A_30 = tpu.memref_slice %arg6[%add3A_24, %dma_wait3A_29] : memref<10240x128xf32, #tpu.memory_space<vmem_shared>> -> memref<80x128xf32, #tpu.memory_space<vmem_shared>>
        tpu.wait_dma2 semaphore(%run_scoped3A : memref<!tpu.dma_semaphore, #tpu.memory_space<semaphore_mem>>) src(%dma_wait3A_30 : memref<80x128xf32, #tpu.memory_space<vmem_shared>>) dst(%arg9 : memref<80x128xf32, #tpu.memory_space<vmem>>)
        tpu.yield
      }) : () -> ()
      "tpu.region"() ({
        %run_scoped3A = tpu.sem_alloc : memref<!tpu.dma_semaphore, #tpu.memory_space<semaphore_mem>>
        %dma_start3A = arith.constant 0 : i32
        %dma_start3A_25 = tpu.memref_slice %arg5[%arg0, %add3A_24, %dma_start3A] : memref<2x10240x128xf32, #tpu.memory_space<hbm>> -> memref<1x80x128xf32, #tpu.memory_space<hbm>>
        %dma_start3A_26 = tpu.memref_squeeze %dma_start3A_25 : memref<1x80x128xf32, #tpu.memory_space<hbm>> -> memref<80x128xf32, #tpu.memory_space<hbm>>
        %dma_start3A_27 = arith.constant 0 : i32
        %dma_start3A_28 = tpu.memref_slice %arg5[%arg0, %add3A_24, %dma_start3A_27] : memref<2x10240x128xf32, #tpu.memory_space<hbm>> -> memref<1x80x128xf32, #tpu.memory_space<hbm>>
        %dma_start3A_29 = tpu.memref_squeeze %dma_start3A_28 : memref<1x80x128xf32, #tpu.memory_space<hbm>> -> memref<80x128xf32, #tpu.memory_space<hbm>>
        tpu.enqueue_dma source(%arg9 : memref<80x128xf32, #tpu.memory_space<vmem>>) target(%dma_start3A_29 : memref<80x128xf32, #tpu.memory_space<hbm>>) target_semaphore(%run_scoped3A : memref<!tpu.dma_semaphore, #tpu.memory_space<semaphore_mem>>)
        %dma_wait3A = arith.constant 0 : i32
        %dma_wait3A_30 = tpu.memref_slice %arg5[%arg0, %add3A_24, %dma_wait3A] : memref<2x10240x128xf32, #tpu.memory_space<hbm>> -> memref<1x80x128xf32, #tpu.memory_space<hbm>>
        %dma_wait3A_31 = tpu.memref_squeeze %dma_wait3A_30 : memref<1x80x128xf32, #tpu.memory_space<hbm>> -> memref<80x128xf32, #tpu.memory_space<hbm>>
        %dma_wait3A_32 = arith.constant 0 : i32
        %dma_wait3A_33 = tpu.memref_slice %arg5[%arg0, %add3A_24, %dma_wait3A_32] : memref<2x10240x128xf32, #tpu.memory_space<hbm>> -> memref<1x80x128xf32, #tpu.memory_space<hbm>>
        %dma_wait3A_34 = tpu.memref_squeeze %dma_wait3A_33 : memref<1x80x128xf32, #tpu.memory_space<hbm>> -> memref<80x128xf32, #tpu.memory_space<hbm>>
        tpu.wait_dma2 semaphore(%run_scoped3A : memref<!tpu.dma_semaphore, #tpu.memory_space<semaphore_mem>>) src(%arg9 : memref<80x128xf32, #tpu.memory_space<vmem>>) dst(%dma_wait3A_34 : memref<80x128xf32, #tpu.memory_space<hbm>>)
        tpu.yield
      }) : () -> ()
    }
    %scan3A_14 = arith.constant 8 : i32
    return
  }
}

module attributes {stable_mosaic.version = 14 : i64} {
  func.func @_tc_pre_body(%arg0: i32, %arg1: memref<1000x128xf32, #tpu.memory_space<vmem>>, %arg2: memref<1000x2xf32, #tpu.memory_space<vmem>>, %arg3: memref<1000x128xf32, #tpu.memory_space<vmem>>) attributes {dimension_semantics = [#tpu.dimension_semantics<arbitrary>], iteration_bounds = array<i64: 10>, scalar_prefetch = 0 : i64, scratch_operands = 0 : i64, tpu.core_type = #tpu.core_type<tc>, window_params = [{transform_indices = @transform_0, window_bounds = array<i64: 1000, 128>}, {transform_indices = @transform_1, window_bounds = array<i64: 1000, 2>}, {transform_indices = @transform_2, window_bounds = array<i64: 1000, 128>}]} {
    %get3A = arith.constant 0 : index
    %get3A_0 = arith.constant 0 : index
    %get3A_1 = vector.load %arg1[%get3A, %get3A_0] : memref<1000x128xf32, #tpu.memory_space<vmem>>, vector<1000x128xf32>
    %get3A_2 = arith.constant 0 : index
    %get3A_3 = arith.constant 0 : index
    %get3A_4 = vector.load %arg2[%get3A_2, %get3A_3] : memref<1000x2xf32, #tpu.memory_space<vmem>>, vector<1000x2xf32>
    %slice3A = vector.extract_strided_slice %get3A_4 {offsets = [0, 0], sizes = [1000, 1], strides = [1, 1]} : vector<1000x2xf32> to vector<1000x1xf32>
    %slice3A_5 = vector.extract_strided_slice %get3A_4 {offsets = [0, 1], sizes = [1000, 1], strides = [1, 1]} : vector<1000x2xf32> to vector<1000x1xf32>
    %add3A = arith.addf %slice3A, %slice3A_5 : vector<1000x1xf32>
    %add3A_6 = arith.constant 1.000000e+00 : f32
    %add3A_7 = vector.broadcast %add3A_6 : f32 to vector<1000x1xf32>
    %add3A_8 = arith.addf %add3A, %add3A_7 : vector<1000x1xf32>
    %rsqrt3A = math.rsqrt %add3A_8 : vector<1000x1xf32>
    %mul3A = vector.broadcast %rsqrt3A : vector<1000x1xf32> to vector<1000x128xf32>
    %mul3A_9 = arith.mulf %get3A_1, %mul3A : vector<1000x128xf32>
    %swap3A = arith.constant 0 : index
    %swap3A_10 = arith.constant 0 : index
    %swap3A_11 = vector.load %arg3[%swap3A, %swap3A_10] : memref<1000x128xf32, #tpu.memory_space<vmem>>, vector<1000x128xf32>
    tpu.vector_store %arg3[%swap3A, %swap3A_10], %mul3A_9 {strides = array<i32>} : memref<1000x128xf32, #tpu.memory_space<vmem>>, vector<1000x128xf32>,
    return
  }
  func.func @transform_0(%arg0: i32) -> (i32, i32) {
    %c0_i32 = arith.constant 0 : i32
    %c0_i32_0 = arith.constant 0 : i32
    return %arg0, %c0_i32 : i32, i32
  }
  func.func @transform_1(%arg0: i32) -> (i32, i32) {
    %c0_i32 = arith.constant 0 : i32
    %c0_i32_0 = arith.constant 0 : i32
    return %arg0, %c0_i32 : i32, i32
  }
  func.func @transform_2(%arg0: i32) -> (i32, i32) {
    %c0_i32 = arith.constant 0 : i32
    %c0_i32_0 = arith.constant 0 : i32
    return %arg0, %c0_i32 : i32, i32
  }
}

module attributes {stable_mosaic.version = 14 : i64} {
  func.func @_tc_layer_body(%arg0: i32, %arg1: memref<2x1000x128xf32, #tpu.memory_space<vmem>>, %arg2: memref<1000x128xf32, #tpu.memory_space<vmem>>, %arg3: memref<1000x2xf32, #tpu.memory_space<vmem>>, %arg4: memref<128x128xf32, #tpu.memory_space<vmem>>, %arg5: memref<1x128xf32, #tpu.memory_space<vmem>>, %arg6: memref<1x128xf32, #tpu.memory_space<vmem>>, %arg7: memref<1x128xf32, #tpu.memory_space<vmem>>, %arg8: memref<1000x128xf32, #tpu.memory_space<vmem>>, %arg9: memref<1000x128xf32, #tpu.memory_space<vmem>>) attributes {dimension_semantics = [#tpu.dimension_semantics<arbitrary>], iteration_bounds = array<i64: 10>, scalar_prefetch = 0 : i64, scratch_operands = 0 : i64, tpu.core_type = #tpu.core_type<tc>, window_params = [{transform_indices = @transform_0, window_bounds = array<i64: 2, 1000, 128>}, {transform_indices = @transform_1, window_bounds = array<i64: 1000, 128>}, {transform_indices = @transform_2, window_bounds = array<i64: 1000, 2>}, {pipeline_mode = #tpu.pipeline_mode<synchronous>, transform_indices = @transform_3, window_bounds = array<i64: 128, 128>}, {pipeline_mode = #tpu.pipeline_mode<synchronous>, transform_indices = @transform_4, window_bounds = array<i64: 1, 128>}, {pipeline_mode = #tpu.pipeline_mode<synchronous>, transform_indices = @transform_5, window_bounds = array<i64: 1, 128>}, {pipeline_mode = #tpu.pipeline_mode<synchronous>, transform_indices = @transform_6, window_bounds = array<i64: 1, 128>}, {transform_indices = @transform_7, window_bounds = array<i64: 1000, 128>}, {transform_indices = @transform_8, window_bounds = array<i64: 1000, 128>}]} {
    %get3A = arith.constant 0 : index
    %get3A_0 = arith.constant 0 : index
    %get3A_1 = vector.load %arg3[%get3A, %get3A_0] : memref<1000x2xf32, #tpu.memory_space<vmem>>, vector<1000x2xf32>
    %slice3A = vector.extract_strided_slice %get3A_1 {offsets = [0, 0], sizes = [1000, 1], strides = [1, 1]} : vector<1000x2xf32> to vector<1000x1xf32>
    %slice3A_2 = vector.extract_strided_slice %get3A_1 {offsets = [0, 1], sizes = [1000, 1], strides = [1, 1]} : vector<1000x2xf32> to vector<1000x1xf32>
    %add3A = arith.addf %slice3A, %slice3A_2 : vector<1000x1xf32>
    %add3A_3 = arith.constant 1.000000e+00 : f32
    %add3A_4 = vector.broadcast %add3A_3 : f32 to vector<1000x1xf32>
    %add3A_5 = arith.addf %add3A, %add3A_4 : vector<1000x1xf32>
    %rsqrt3A = math.rsqrt %add3A_5 : vector<1000x1xf32>
    %get3A_6 = arith.constant 0 : index
    %get3A_7 = arith.constant 0 : index
    %get3A_8 = arith.constant 0 : index
    %get3A_9 = vector.load %arg1[%get3A_6, %get3A_7, %get3A_8] : memref<2x1000x128xf32, #tpu.memory_space<vmem>>, vector<1x1000x128xf32>
    %get3A_10 = vector.shape_cast %get3A_9 : vector<1x1000x128xf32> to vector<1000x128xf32>
    %get3A_11 = arith.constant 1 : index
    %get3A_12 = arith.constant 0 : index
    %get3A_13 = arith.constant 0 : index
    %get3A_14 = vector.load %arg1[%get3A_11, %get3A_12, %get3A_13] : memref<2x1000x128xf32, #tpu.memory_space<vmem>>, vector<1x1000x128xf32>
    %get3A_15 = vector.shape_cast %get3A_14 : vector<1x1000x128xf32> to vector<1000x128xf32>
    %add3A_16 = arith.addf %get3A_10, %get3A_15 : vector<1000x128xf32>
    %mul3A = vector.broadcast %rsqrt3A : vector<1000x1xf32> to vector<1000x128xf32>
    %mul3A_17 = arith.mulf %mul3A, %add3A_16 : vector<1000x128xf32>
    %mul3A_18 = arith.mulf %rsqrt3A, %rsqrt3A : vector<1000x1xf32>
    %get3A_19 = arith.constant 0 : index
    %get3A_20 = arith.constant 0 : index
    %get3A_21 = vector.load %arg2[%get3A_19, %get3A_20] : memref<1000x128xf32, #tpu.memory_space<vmem>>, vector<1000x128xf32>
    %mul3A_22 = vector.broadcast %mul3A_18 : vector<1000x1xf32> to vector<1000x128xf32>
    %mul3A_23 = arith.mulf %mul3A_22, %get3A_21 : vector<1000x128xf32>
    %add3A_24 = arith.addf %mul3A_17, %mul3A_23 : vector<1000x128xf32>
    %get3A_25 = arith.constant 0 : index
    %get3A_26 = arith.constant 0 : index
    %get3A_27 = vector.load %arg4[%get3A_25, %get3A_26] : memref<128x128xf32, #tpu.memory_space<vmem>>, vector<128x128xf32>
    %dot_general3A = arith.constant dense<0.000000e+00> : vector<1000x128xf32>
    %dot_general3A_28 = tpu.matmul %add3A_24, %get3A_27, %dot_general3A {dimension_numbers = #tpu.dot_dimension_numbers<[1], [0], [0], [1], [0, 0, 1, 1], [], []>, transpose_lhs_hint = false} : vector<1000x128xf32>, vector<128x128xf32>, vector<1000x128xf32> -> vector<1000x128xf32>
    %get3A_29 = arith.constant 0 : index
    %get3A_30 = arith.constant 0 : index
    %get3A_31 = vector.load %arg5[%get3A_29, %get3A_30] : memref<1x128xf32, #tpu.memory_space<vmem>>, vector<1x128xf32>
    %add3A_32 = vector.broadcast %get3A_31 : vector<1x128xf32> to vector<1000x128xf32>
    %add3A_33 = arith.addf %dot_general3A_28, %add3A_32 : vector<1000x128xf32>
    %reduce_sum3A = arith.constant dense<0.000000e+00> : vector<1000xf32>
    %reduce_sum3A_34 = vector.multi_reduction <add>, %add3A_33, %reduce_sum3A [1] : vector<1000x128xf32> to vector<1000xf32>
    %broadcast_in_dim3A = vector.shape_cast %reduce_sum3A_34 : vector<1000xf32> to vector<1000x1xf32>
    %div3A = arith.constant 1.280000e+02 : f32
    %div3A_35 = vector.broadcast %div3A : f32 to vector<1000x1xf32>
    %div3A_36 = arith.divf %broadcast_in_dim3A, %div3A_35 : vector<1000x1xf32>
    %sub3A = vector.broadcast %div3A_36 : vector<1000x1xf32> to vector<1000x128xf32>
    %sub3A_37 = arith.subf %add3A_33, %sub3A : vector<1000x128xf32>
    %square3A = arith.mulf %sub3A_37, %sub3A_37 : vector<1000x128xf32>
    %reduce_sum3A_38 = arith.constant dense<0.000000e+00> : vector<1000xf32>
    %reduce_sum3A_39 = vector.multi_reduction <add>, %square3A, %reduce_sum3A_38 [1] : vector<1000x128xf32> to vector<1000xf32>
    %broadcast_in_dim3A_40 = vector.shape_cast %reduce_sum3A_39 : vector<1000xf32> to vector<1000x1xf32>
    %div3A_41 = arith.constant 1.280000e+02 : f32
    %div3A_42 = vector.broadcast %div3A_41 : f32 to vector<1000x1xf32>
    %div3A_43 = arith.divf %broadcast_in_dim3A_40, %div3A_42 : vector<1000x1xf32>
    %sub3A_44 = vector.broadcast %div3A_36 : vector<1000x1xf32> to vector<1000x128xf32>
    %sub3A_45 = arith.subf %add3A_33, %sub3A_44 : vector<1000x128xf32>
    %add3A_46 = arith.constant 9.99999974E-6 : f32
    %add3A_47 = vector.broadcast %add3A_46 : f32 to vector<1000x1xf32>
    %add3A_48 = arith.addf %div3A_43, %add3A_47 : vector<1000x1xf32>
    %rsqrt3A_49 = math.rsqrt %add3A_48 : vector<1000x1xf32>
    %mul3A_50 = vector.broadcast %rsqrt3A_49 : vector<1000x1xf32> to vector<1000x128xf32>
    %mul3A_51 = arith.mulf %sub3A_45, %mul3A_50 : vector<1000x128xf32>
    %get3A_52 = arith.constant 0 : index
    %get3A_53 = arith.constant 0 : index
    %get3A_54 = vector.load %arg6[%get3A_52, %get3A_53] : memref<1x128xf32, #tpu.memory_space<vmem>>, vector<1x128xf32>
    %mul3A_55 = vector.broadcast %get3A_54 : vector<1x128xf32> to vector<1000x128xf32>
    %mul3A_56 = arith.mulf %mul3A_51, %mul3A_55 : vector<1000x128xf32>
    %get3A_57 = arith.constant 0 : index
    %get3A_58 = arith.constant 0 : index
    %get3A_59 = vector.load %arg7[%get3A_57, %get3A_58] : memref<1x128xf32, #tpu.memory_space<vmem>>, vector<1x128xf32>
    %add3A_60 = vector.broadcast %get3A_59 : vector<1x128xf32> to vector<1000x128xf32>
    %add3A_61 = arith.addf %mul3A_56, %add3A_60 : vector<1000x128xf32>
    %max3A = arith.constant 0.000000e+00 : f32
    %max3A_62 = vector.broadcast %max3A : f32 to vector<1000x128xf32>
    %max3A_63 = arith.maximumf %add3A_61, %max3A_62 : vector<1000x128xf32>
    %swap3A = arith.constant 0 : index
    %swap3A_64 = arith.constant 0 : index
    %swap3A_65 = vector.load %arg8[%swap3A, %swap3A_64] : memref<1000x128xf32, #tpu.memory_space<vmem>>, vector<1000x128xf32>
    tpu.vector_store %arg8[%swap3A, %swap3A_64], %max3A_63 {strides = array<i32>} : memref<1000x128xf32, #tpu.memory_space<vmem>>, vector<1000x128xf32>,
    %mul3A_66 = vector.broadcast %rsqrt3A : vector<1000x1xf32> to vector<1000x128xf32>
    %mul3A_67 = arith.mulf %mul3A_66, %max3A_63 : vector<1000x128xf32>
    %swap3A_68 = arith.constant 0 : index
    %swap3A_69 = arith.constant 0 : index
    %swap3A_70 = vector.load %arg9[%swap3A_68, %swap3A_69] : memref<1000x128xf32, #tpu.memory_space<vmem>>, vector<1000x128xf32>
    tpu.vector_store %arg9[%swap3A_68, %swap3A_69], %mul3A_67 {strides = array<i32>} : memref<1000x128xf32, #tpu.memory_space<vmem>>, vector<1000x128xf32>,
    return
  }
  func.func @transform_0(%arg0: i32) -> (i32, i32, i32) {
    %c0_i32 = arith.constant 0 : i32
    %c0_i32_0 = arith.constant 0 : i32
    %c0_i32_1 = arith.constant 0 : i32
    return %c0_i32, %arg0, %c0_i32_0 : i32, i32, i32
  }
  func.func @transform_1(%arg0: i32) -> (i32, i32) {
    %c0_i32 = arith.constant 0 : i32
    %c0_i32_0 = arith.constant 0 : i32
    return %arg0, %c0_i32 : i32, i32
  }
  func.func @transform_2(%arg0: i32) -> (i32, i32) {
    %c0_i32 = arith.constant 0 : i32
    %c0_i32_0 = arith.constant 0 : i32
    return %arg0, %c0_i32 : i32, i32
  }
  func.func @transform_3(%arg0: i32) -> (i32, i32) {
    %c0_i32 = arith.constant 0 : i32
    %c0_i32_0 = arith.constant 0 : i32
    %c0_i32_1 = arith.constant 0 : i32
    return %c0_i32, %c0_i32_0 : i32, i32
  }
  func.func @transform_4(%arg0: i32) -> (i32, i32) {
    %c0_i32 = arith.constant 0 : i32
    %c0_i32_0 = arith.constant 0 : i32
    %c0_i32_1 = arith.constant 0 : i32
    return %c0_i32, %c0_i32_0 : i32, i32
  }
  func.func @transform_5(%arg0: i32) -> (i32, i32) {
    %c0_i32 = arith.constant 0 : i32
    %c0_i32_0 = arith.constant 0 : i32
    %c0_i32_1 = arith.constant 0 : i32
    return %c0_i32, %c0_i32_0 : i32, i32
  }
  func.func @transform_6(%arg0: i32) -> (i32, i32) {
    %c0_i32 = arith.constant 0 : i32
    %c0_i32_0 = arith.constant 0 : i32
    %c0_i32_1 = arith.constant 0 : i32
    return %c0_i32, %c0_i32_0 : i32, i32
  }
  func.func @transform_7(%arg0: i32) -> (i32, i32) {
    %c0_i32 = arith.constant 0 : i32
    %c0_i32_0 = arith.constant 0 : i32
    return %arg0, %c0_i32 : i32, i32
  }
  func.func @transform_8(%arg0: i32) -> (i32, i32) {
    %c0_i32 = arith.constant 0 : i32
    %c0_i32_0 = arith.constant 0 : i32
    return %arg0, %c0_i32 : i32, i32
  }
}

module attributes {stable_mosaic.version = 14 : i64} {
  func.func @_tc_final_body(%arg0: i32, %arg1: memref<2x1000x128xf32, #tpu.memory_space<vmem>>, %arg2: memref<1000x128xf32, #tpu.memory_space<vmem>>, %arg3: memref<1000x2xf32, #tpu.memory_space<vmem>>, %arg4: memref<128x40xf32, #tpu.memory_space<vmem>>, %arg5: memref<1x40xf32, #tpu.memory_space<vmem>>, %arg6: memref<1000x40xf32, #tpu.memory_space<vmem>>) attributes {dimension_semantics = [#tpu.dimension_semantics<arbitrary>], iteration_bounds = array<i64: 10>, scalar_prefetch = 0 : i64, scratch_operands = 0 : i64, tpu.core_type = #tpu.core_type<tc>, window_params = [{transform_indices = @transform_0, window_bounds = array<i64: 2, 1000, 128>}, {transform_indices = @transform_1, window_bounds = array<i64: 1000, 128>}, {transform_indices = @transform_2, window_bounds = array<i64: 1000, 2>}, {pipeline_mode = #tpu.pipeline_mode<synchronous>, transform_indices = @transform_3, window_bounds = array<i64: 128, 40>}, {pipeline_mode = #tpu.pipeline_mode<synchronous>, transform_indices = @transform_4, window_bounds = array<i64: 1, 40>}, {transform_indices = @transform_5, window_bounds = array<i64: 1000, 40>}]} {
    %get3A = arith.constant 0 : index
    %get3A_0 = arith.constant 0 : index
    %get3A_1 = vector.load %arg3[%get3A, %get3A_0] : memref<1000x2xf32, #tpu.memory_space<vmem>>, vector<1000x2xf32>
    %slice3A = vector.extract_strided_slice %get3A_1 {offsets = [0, 0], sizes = [1000, 1], strides = [1, 1]} : vector<1000x2xf32> to vector<1000x1xf32>
    %slice3A_2 = vector.extract_strided_slice %get3A_1 {offsets = [0, 1], sizes = [1000, 1], strides = [1, 1]} : vector<1000x2xf32> to vector<1000x1xf32>
    %add3A = arith.addf %slice3A, %slice3A_2 : vector<1000x1xf32>
    %add3A_3 = arith.constant 1.000000e+00 : f32
    %add3A_4 = vector.broadcast %add3A_3 : f32 to vector<1000x1xf32>
    %add3A_5 = arith.addf %add3A, %add3A_4 : vector<1000x1xf32>
    %rsqrt3A = math.rsqrt %add3A_5 : vector<1000x1xf32>
    %get3A_6 = arith.constant 0 : index
    %get3A_7 = arith.constant 0 : index
    %get3A_8 = arith.constant 0 : index
    %get3A_9 = vector.load %arg1[%get3A_6, %get3A_7, %get3A_8] : memref<2x1000x128xf32, #tpu.memory_space<vmem>>, vector<1x1000x128xf32>
    %get3A_10 = vector.shape_cast %get3A_9 : vector<1x1000x128xf32> to vector<1000x128xf32>
    %get3A_11 = arith.constant 1 : index
    %get3A_12 = arith.constant 0 : index
    %get3A_13 = arith.constant 0 : index
    %get3A_14 = vector.load %arg1[%get3A_11, %get3A_12, %get3A_13] : memref<2x1000x128xf32, #tpu.memory_space<vmem>>, vector<1x1000x128xf32>
    %get3A_15 = vector.shape_cast %get3A_14 : vector<1x1000x128xf32> to vector<1000x128xf32>
    %add3A_16 = arith.addf %get3A_10, %get3A_15 : vector<1000x128xf32>
    %mul3A = vector.broadcast %rsqrt3A : vector<1000x1xf32> to vector<1000x128xf32>
    %mul3A_17 = arith.mulf %mul3A, %add3A_16 : vector<1000x128xf32>
    %mul3A_18 = arith.mulf %rsqrt3A, %rsqrt3A : vector<1000x1xf32>
    %get3A_19 = arith.constant 0 : index
    %get3A_20 = arith.constant 0 : index
    %get3A_21 = vector.load %arg2[%get3A_19, %get3A_20] : memref<1000x128xf32, #tpu.memory_space<vmem>>, vector<1000x128xf32>
    %mul3A_22 = vector.broadcast %mul3A_18 : vector<1000x1xf32> to vector<1000x128xf32>
    %mul3A_23 = arith.mulf %mul3A_22, %get3A_21 : vector<1000x128xf32>
    %add3A_24 = arith.addf %mul3A_17, %mul3A_23 : vector<1000x128xf32>
    %get3A_25 = arith.constant 0 : index
    %get3A_26 = arith.constant 0 : index
    %get3A_27 = vector.load %arg4[%get3A_25, %get3A_26] : memref<128x40xf32, #tpu.memory_space<vmem>>, vector<128x40xf32>
    %dot_general3A = arith.constant dense<0.000000e+00> : vector<1000x40xf32>
    %dot_general3A_28 = tpu.matmul %add3A_24, %get3A_27, %dot_general3A {dimension_numbers = #tpu.dot_dimension_numbers<[1], [0], [0], [1], [0, 0, 1, 1], [], []>, transpose_lhs_hint = false} : vector<1000x128xf32>, vector<128x40xf32>, vector<1000x40xf32> -> vector<1000x40xf32>
    %get3A_29 = arith.constant 0 : index
    %get3A_30 = arith.constant 0 : index
    %get3A_31 = vector.load %arg5[%get3A_29, %get3A_30] : memref<1x40xf32, #tpu.memory_space<vmem>>, vector<1x40xf32>
    %add3A_32 = vector.broadcast %get3A_31 : vector<1x40xf32> to vector<1000x40xf32>
    %add3A_33 = arith.addf %dot_general3A_28, %add3A_32 : vector<1000x40xf32>
    %reduce_max3A = arith.constant dense<0xFF800000> : vector<1000xf32>
    %reduce_max3A_34 = vector.multi_reduction <maximumf>, %add3A_33, %reduce_max3A [1] : vector<1000x40xf32> to vector<1000xf32>
    %broadcast_in_dim3A = vector.shape_cast %reduce_max3A_34 : vector<1000xf32> to vector<1000x1xf32>
    %sub3A = vector.broadcast %broadcast_in_dim3A : vector<1000x1xf32> to vector<1000x40xf32>
    %sub3A_35 = arith.subf %add3A_33, %sub3A : vector<1000x40xf32>
    %exp3A = math.exp %sub3A_35 : vector<1000x40xf32>
    %reduce_sum3A = arith.constant dense<0.000000e+00> : vector<1000xf32>
    %reduce_sum3A_36 = vector.multi_reduction <add>, %exp3A, %reduce_sum3A [1] : vector<1000x40xf32> to vector<1000xf32>
    %broadcast_in_dim3A_37 = vector.shape_cast %reduce_sum3A_36 : vector<1000xf32> to vector<1000x1xf32>
    %log3A = math.log %broadcast_in_dim3A_37 : vector<1000x1xf32>
    %add3A_38 = arith.addf %log3A, %broadcast_in_dim3A : vector<1000x1xf32>
    %sub3A_39 = vector.broadcast %add3A_38 : vector<1000x1xf32> to vector<1000x40xf32>
    %sub3A_40 = arith.subf %add3A_33, %sub3A_39 : vector<1000x40xf32>
    %swap3A = arith.constant 0 : index
    %swap3A_41 = arith.constant 0 : index
    %swap3A_42 = vector.load %arg6[%swap3A, %swap3A_41] : memref<1000x40xf32, #tpu.memory_space<vmem>>, vector<1000x40xf32>
    tpu.vector_store %arg6[%swap3A, %swap3A_41], %sub3A_40 {strides = array<i32>} : memref<1000x40xf32, #tpu.memory_space<vmem>>, vector<1000x40xf32>,
    return
  }
  func.func @transform_0(%arg0: i32) -> (i32, i32, i32) {
    %c0_i32 = arith.constant 0 : i32
    %c0_i32_0 = arith.constant 0 : i32
    %c0_i32_1 = arith.constant 0 : i32
    return %c0_i32, %arg0, %c0_i32_0 : i32, i32, i32
  }
  func.func @transform_1(%arg0: i32) -> (i32, i32) {
    %c0_i32 = arith.constant 0 : i32
    %c0_i32_0 = arith.constant 0 : i32
    return %arg0, %c0_i32 : i32, i32
  }
  func.func @transform_2(%arg0: i32) -> (i32, i32) {
    %c0_i32 = arith.constant 0 : i32
    %c0_i32_0 = arith.constant 0 : i32
    return %arg0, %c0_i32 : i32, i32
  }
  func.func @transform_3(%arg0: i32) -> (i32, i32) {
    %c0_i32 = arith.constant 0 : i32
    %c0_i32_0 = arith.constant 0 : i32
    %c0_i32_1 = arith.constant 0 : i32
    return %c0_i32, %c0_i32_0 : i32, i32
  }
  func.func @transform_4(%arg0: i32) -> (i32, i32) {
    %c0_i32 = arith.constant 0 : i32
    %c0_i32_0 = arith.constant 0 : i32
    %c0_i32_1 = arith.constant 0 : i32
    return %c0_i32, %c0_i32_0 : i32, i32
  }
  func.func @transform_5(%arg0: i32) -> (i32, i32) {
    %c0_i32 = arith.constant 0 : i32
    %c0_i32_0 = arith.constant 0 : i32
    return %arg0, %c0_i32 : i32, i32
  }
}

</mosaic_0001>

<sc_bundles>
// kernel: kernel.10.cloned.1.call-start
scs
__scs_entry_jumppad:
0x0: {  	(pc) =	sbr.rel $0x88, $3  }
0x1: {  	(tag) =	ssettag $0x0;
	lr =	simm.s32 $0x1  }
0x2: {  	[smem:$0x3F95] =	sst lr;
	_ =	strace $0xD0000000  }
0x3: {  	_ = 	snop  }
0x4: {  	_ = 	snop  }
0x5: {  	_ = 	snop  }
0x6: {  	_ = 	snop  }
0x7: {  	_ = 	snop  }
__scs_overlays_trampoline_lowered:
0x8: {  	[smem:$0x3FA4] =	sst s0  }
0x9: {  	[smem:$0x3FA5] =	sst s1  }
0xa: {  	[smem:$0x3FA6] =	sst s2  }
0xb: {  	[smem:$0x3FA7] =	sst s3  }
0xc: {  	[smem:$0x3FA8] =	sst s4  }
0xd: {  	[smem:$0x3FA9] =	sst s5  }
0xe: {  	[smem:$0x3FAA] =	sst s6  }
0xf: {  	[smem:$0x3FAB] =	sst s7  }
0x10: {  	[smem:$0x3FAC] =	sst s8  }
0x11: {  	[smem:$0x3FAD] =	sst s9;
	s0 =	simm.s32 @!p0 $0x0  }
0x12: {  	s1 =	sld [smem:$0x3F93];
	s0 =	simm.s32 @p0 $0x1  }
0x13: {  	[smem:$0x3FAE] =	sst s0;
	s0 =	simm.s32 @!p1 $0x0  }
0x14: {  	s2 =	sld [smem:$0x3F92];
	s0 =	simm.s32 @p1 $0x1  }
0x15: {  	[smem:$0x3FAF] =	sst s0;
	s0 =	simm.s32 @!p2 $0x0  }
0x16: {  	s3 =	sld [smem:$0x3FDB];
	s0 =	simm.s32 @p2 $0x1  }
0x17: {  	s4 =	simm.s32 $0x1BF5;
	[smem:$0x3FB1] =	sst s0  }
0x18: {  	s0 =	sld [smem:$0x3F94];
	_ =	swait.ge [sflag:s4], $0x0  }
0x19: {  	s7 =	sld [smem:$0x3F95]  }
0x1a: {  	s8 =	sadd.s32 $0xFFFFE003, lr  }
0x1b: {  	s9 =	sadd.s32 $0xFFFFFEF7, lr;
	s5 =	simm.s32 $0xFFFFFFFF;
	p2 =	slt.u32 s8, $0xFFFFF086  }
0x1c: {  	p1 =	slt.u32 s9, $0xF7A;
	s5 =	simm.s32 @!p2 $0x0  }
0x1d: {  	s5 =	simm.s32 @p1 $0x1;
	p0 =	seq.s32 s7, s2  }
0x1e: {  	s7 =	smul.u32 @!p0 $0xF7A, s2;
	p2 =	seq.s32 @!p0 s5, $0x0  }
0x1f: {  	s9 =	smul.u32 $0xF7A, s1;
	s8 =	simm.s32 @!p0 $0x1BF5;
	p2 =	por !p2, p0  }
0x20: {  	[sflag:s8] =	ssyncset.s32 @!p0 $0xFFFFF086;
	s6 =	sadd.s32 @!p0 s3, s7;
	s7 =	simm.s32 @!p0 $0x108  }
0x21: {  	s3 =	sadd.s32 s3, s9;
	s6 =	sadd.s32 @!p0 $0x88, s6;
	s7 =	simm.s32 @p2 $0x1082  }
0x22: {  	[simem:s7], [sflag:s8] =	dma.local @!p0 [hbm:s6], $0xF7A  }
0x23: {  	s9 =	sor.u32 $0xD0000000, s2;
	s6 =	simm.s32 $0x108;
	_ =	swait.ge @!p0 [sflag:s8], $0x0  }
0x24: {  	s3 =	sadd.s32 $0x88, s3;
	s6 =	simm.s32 @!p1 $0x1082;
	[sflag:s4] =	ssyncset.s32 $0xFFFFF086  }
0x25: {  	[simem:s6], [sflag:s4] =	dma.local [hbm:s3], $0xF7A  }
0x26: {  	[smem:$0x3F95] =	sst s1;
	(tag) =	ssettag s2;
	_ =	strace s9  }
0x27: {  	s1 =	sld [smem:$0x3FA5]  }
0x28: {  	s2 =	sld [smem:$0x3FA6]  }
0x29: {  	s4 =	sld [smem:$0x3FA8]  }
0x2a: {  	p0 =	seq.s32 s5, $0x0;
	s5 =	sld [smem:$0x3FA9]  }
0x2b: {  	s6 =	sld [smem:$0x3FAA]  }
0x2c: {  	s7 =	sld [smem:$0x3FAB]  }
0x2d: {  	s3 =	simm.s32 $0x108;
	s8 =	sld [smem:$0x3FAC]  }
0x2e: {  	s3 =	simm.s32 @!p0 $0x1082;
	s9 =	sld [smem:$0x3FAD]  }
0x2f: {  	lr =	sadd.s32 s0, s3;
	s0 =	sld [smem:$0x3FA4]  }
0x30: {  	s3 =	sld [smem:$0x3FA7]  }
0x31: {  	[smem:$0x3FB0] =	sst s10  }
0x32: {  	s10 =	sld [smem:$0x3FAE];
	_ =	sdelay $0x3  }
0x33: {  	p0 =	seq.s32 s10, $0x1;
	s10 =	sld [smem:$0x3FB0];
	_ =	sdelay $0x3  }
0x34: {  	[smem:$0x3FB0] =	sst s10  }
0x35: {  	s10 =	sld [smem:$0x3FAF];
	_ =	sdelay $0x3  }
0x36: {  	p1 =	seq.s32 s10, $0x1;
	s10 =	sld [smem:$0x3FB0];
	_ =	sdelay $0x3  }
0x37: {  	[smem:$0x3FB0] =	sst s10  }
0x38: {  	s10 =	sld [smem:$0x3FB1]  }
0x39: {  	_ = 	snop;
	(pc) =	sbr.ind lr, $3  }
0x3a: {  	_ = 	snop  }
0x3b: {  	_ = 	snop  }
0x3c: {  	p2 =	seq.s32 s10, $0x1;
	s10 =	sld [smem:$0x3FB0]  }
0x3d: {  	_ =	shalt  }
0x3e: {  	_ =	shalt  }
0x3f: {  	_ =	shalt  }
0x40: {  	_ =	shalt  }
0x41: {  	_ =	shalt  }
0x42: {  	_ =	shalt  }
0x43: {  	_ =	shalt  }
0x44: {  	_ =	shalt  }
0x45: {  	_ =	shalt  }
0x46: {  	_ =	shalt  }
0x47: {  	_ =	shalt  }
0x48: {  	_ =	shalt  }
0x49: {  	_ =	shalt  }
0x4a: {  	_ =	shalt  }
0x4b: {  	_ =	shalt  }
0x4c: {  	_ =	shalt  }
0x4d: {  	_ =	shalt  }
0x4e: {  	_ =	shalt  }
0x4f: {  	_ =	shalt  }
0x50: {  	_ =	shalt  }
0x51: {  	_ =	shalt  }
0x52: {  	_ =	shalt  }
0x53: {  	_ =	shalt  }
0x54: {  	_ =	shalt  }
0x55: {  	_ =	shalt  }
0x56: {  	_ =	shalt  }
0x57: {  	_ =	shalt  }
0x58: {  	_ =	shalt  }
0x59: {  	_ =	shalt  }
0x5a: {  	_ =	shalt  }
0x5b: {  	_ =	shalt  }
0x5c: {  	_ =	shalt  }
0x5d: {  	_ =	shalt  }
0x5e: {  	_ =	shalt  }
0x5f: {  	_ =	shalt  }
0x60: {  	_ =	shalt  }
0x61: {  	_ =	shalt  }
0x62: {  	_ =	shalt  }
0x63: {  	_ =	shalt  }
0x64: {  	_ =	shalt  }
0x65: {  	_ =	shalt  }
0x66: {  	_ =	shalt  }
0x67: {  	_ =	shalt  }
0x68: {  	_ =	shalt  }
0x69: {  	_ =	shalt  }
0x6a: {  	_ =	shalt  }
0x6b: {  	_ =	shalt  }
0x6c: {  	_ =	shalt  }
0x6d: {  	_ =	shalt  }
0x6e: {  	_ =	shalt  }
0x6f: {  	_ =	shalt  }
0x70: {  	_ =	shalt  }
0x71: {  	_ =	shalt  }
0x72: {  	_ =	shalt  }
0x73: {  	_ =	shalt  }
0x74: {  	_ =	shalt  }
0x75: {  	_ =	shalt  }
0x76: {  	_ =	shalt  }
0x77: {  	_ =	shalt  }
0x78: {  	_ =	shalt  }
0x79: {  	_ =	shalt  }
0x7a: {  	_ =	shalt  }
0x7b: {  	_ =	shalt  }
0x7c: {  	_ =	shalt  }
0x7d: {  	_ =	shalt  }
0x7e: {  	_ =	shalt  }
0x7f: {  	_ =	shalt  }
0x80: {  	_ =	shalt  }
0x81: {  	_ =	shalt  }
0x82: {  	_ =	shalt  }
0x83: {  	_ =	shalt  }
0x84: {  	_ =	shalt  }
0x85: {  	_ =	shalt  }
0x86: {  	_ =	shalt  }
0x87: {  	_ =	shalt  }
.Lfunc_end0:
.L_simem_size_0:
called_computation_lowered:
.L_overlay_start_0:
0x88: {  	s2 =	sld [smem:$0x3FD9]  }
0x89: {  	s3 =	sld [smem:$0x3FFE];
	_ =	sdelay $0x1  }
0x8a: {  	s1 =	srdreg.scid  }
0x8b: {  	s0 =	sand.u32 $0x1, s1  }
0x8c: {  	s17 =	sshll.u32 s0, $0xA;
	s2 =	sadd.s32 s3, s2  }
0x8d: {  	s2 =	sadd.s32 s2, s17  }
0x8e: {  	[smem:$0x3FBC] =	sst s2  }
0x8f: {  	_ = 	snop  }
0x90: {  	s2 =	sld [smem:$0x3FD0];
	(tm) =	ssettm $0x1  }
0x91: {  	s18 =	sld [smem:$0x3FFB];
	_ =	sdelay $0x3  }
0x92: {  	_ =	strace s18  }
0x93: {  	s3 =	sld [smem:$0x3FFC];
	_ =	sdelay $0x3  }
0x94: {  	_ =	strace s3  }
0x95: {  	s3 =	sld [smem:$0x3FFD];
	_ =	sdelay $0x3  }
0x96: {  	_ =	strace s3  }
0x97: {  	_ =	strace $0x8FFFFFFF  }
0x98: {  	s19 =	sld [smem:$0x3FDB];
	_ =	sdelay $0x1  }
0x99: {  	s4 =	simm.s32 $_scs_section_size  }
0x9a: {  	s5 =	simm.s32 $_size__tile_overlayer_lowered;
	s6 =	simm.s32 $_tile_overlayer_lowered  }
0x9b: {  	s22 =	simm.s32 $0x1BFF;
	s21 =	sshll.u32 s6, $0x1;
	s3 =	sadd.s32 s4, s19  }
0x9c: {  	s7 =	simm.s32 $0x0;
	s20 =	sshll.u32 s5, $0x1;
	s5 =	sadd.s32 s21, s3  }
0x9d: {  	[timem:s7], [sflag:s22] =	dma.local [hbm:s5], s20  }
0x9e: {  	_ =	swait.ge [sflag:s22], s20  }
0x9f: {  	s4 =	ssub.s32 $0x0, s20;
	[sflag:s22] =	ssyncset.done $0x0  }
0xa0: {  	[sflag:s22] =	ssyncadd.s32 s4;
	_ =	sdelay $0x1  }
0xa1: {  	s23 =	simm.s32 $0x1B8B  }
0xa2: {  	_ =	swait.ge [sflag:s23], $0x1  }
0xa3: {  	[sflag:s23] =	ssyncset.done $0x0  }
0xa4: {  	s25 =	simm.s32 $0x1B8E;
	s24 =	sld [smem:$0x3FFE];
	[sflag:s23] =	ssyncadd.s32 $0xFFFFFFFF  }
0xa5: {  	s26 =	simm.s32 $execute0_lowered;
	[smem:$0x3FD2] =	sst s25  }
0xa6: {  	s5 =	sshll.u32 s26, $0x1;
	_ =	strace $0x80000046;
	[dreg:$0x1] =	wrdreg $0xFFFFFFFF  }
0xa7: {  	s28 =	simm.s32 $_size_execute0_lowered;
	s3 =	sadd.s32 s3, s5;
	[dreg:$0x0] =	wrdreg $0x0  }
0xa8: {  	s5 =	sshll.u32 s28, $0x1;
	[dreg:$0x2] =	wrdreg s3  }
0xa9: {  	[dreg:$0x3] =	wrdreg s5  }
0xaa: {  	[dreg:$0x4] =	wrdreg $0xC0  }
0xab: {  	_ =	task [dreg:s7], $0x5FFFF  }
0xac: {  	[dreg:$0x1] =	wrdreg $0xFFFFFFFF  }
0xad: {  	[dreg:$0x0] =	wrdreg $0x60  }
0xae: {  	[dreg:$0x2] =	wrdreg s24  }
0xaf: {  	[dreg:$0x3] =	wrdreg s2  }
0xb0: {  	[dreg:$0x4] =	wrdreg $0x0  }
0xb1: {  	[dreg:$0x5] =	wrdreg $0x9  }
0xb2: {  	_ =	task.clear_ibuf [dreg:s7], $0x6FFFF;
	_ =	strace $0x90000046  }
0xb3: {  	s29 =	simm.s32 $0x9;
	_ =	strace $0x80000048  }
0xb4: {  	_ =	swait.ge [sflag:s29], $0x1  }
0xb5: {  	[sflag:s29] =	ssyncadd.s32 $0xFFFFFFFF  }
0xb6: {  	_ =	strace $0x90000048  }
0xb7: {  	_ =	sfence  }
0xb8: {  	s30 =	sld [smem:$0x0];
	_ =	sdelay $0x2  }
0xb9: {  	s31 =	sshll.u32 s1, $0xD;
	s1 =	sshrl.u32 s1, $0x2  }
0xba: {  	s3 =	sand.u32 $0x4000, s31;
	s1 =	sadd.s32 s1, s30  }
0xbb: {  	s0 =	sor.u32 s3, s0;
	s1 =	sshll.u32 s1, $0x11  }
0xbc: {  	s0 =	sor.u32 s1, s0  }
0xbd: {  	s0 =	sadd.s32 $0x8F2B, s0  }
0xbe: {  	[sflag:s0] =	ssyncadd.remote.s32 $0x1  }
0xbf: {  	_ =	sfence.sel $0xFFFF  }
0xc0: {  	[dreg:$0x0] =	wrdreg $0xFFFFFFFF;
	(pc) =	sbr.abs _section_cstart, $3  }
0xc1: {  	[dreg:$0x1] =	wrdreg $0xFFFFFFFF  }
0xc2: {  	_ =	task.clear_ibuf [dreg:s7], $0x2FFFF;
	_ =	strace $0x9FFFFFFF  }
0xc3: {  	(tm) =	ssettm $0x7FFFFFFF  }
tec
execute0_lowered:
.L_overlay_start_1:
0x0: {  	(tag) =	ssettag $0x1  }
0x1: {  	s7 =	rddreg [dreg:$0x0]  }
0x2: {  	s8 =	rddreg [dreg:$0x1]  }
0x3: {  	s2 =	rddreg [dreg:$0x2];
	s0 =	stileid.u32  }
0x4: {  	s5 =	srdreg.scid;
	s1 =	rddreg [dreg:$0x3]  }
0x5: {  	s3 =	simm.s32 $0x0;
	s14 =	simm.s32 $0x50;
	s15 =	simm.s32 $0x380  }
0x6: {  	s16 =	simm.s32 $0x400;
	s17 =	simm.s32 $0x80;
	s4 =	smul.u32 $0x280, s0  }
0x7: {  	s18 =	simm.s32 $0x100;
	s19 =	simm.s32 $0x0;
	s30 =	smul.u32 $0x500, s0  }
0x8: {  	s6 =	sand.u32 $0x1, s5;
	[smem:$0x7FF] =	sst s3;
	s12 =	smul.u32 $0xFA0, s0  }
0x9: {  	s13 =	sshll.u32 s0, $0x6;
	s9 =	ssub.s32 $0x2, s6;
	_ =	strace $0x80000047  }
0xa: {  	s11 =	sshll.u32 s6, $0x7;
	s31 =	smul.u32 $0x7D0, s6;
	s6 =	sor.u32 $0x1C01, s13  }
0xb: {  	s13 =	simm.s32 $0x280;
	s29 =	sshrl.u32 s4, $0x3;
	s10 =	sshrl.u32 s9, $0x1  }
0xc: {  	s4 =	sadd.s32 s4, s2;
	s5 =	sadd.s32 s29, s7;
	s9 =	ssub.s32 s9, s10  }
0xd: {  	s10 =	sor.u32 s11, s30;
	s7 =	sadd.s32 $0x13000, s7;
	s11 =	sshrl.u32 s4, $0x3  }
0xe: {  	s5 =	sadd.s32 $0x22A00, s5;
	s10 =	sshrl.u32 s10, $0x3;
	s9 =	smax.u32 s9, $0x1  }
0xf: {  	v0 =	vimm.f32 $1.000000000e+00;
	s8 =	sadd.s32 s8, s10;
	s10 =	sadd.s32 s31, s12;
	s12 =	simm.s32 $0x1  }
.LBB2_1:
0x10: {  	[spmem:s11], [sflag:s6] =	dma.local [hbm:s5], $0x50  }
0x11: {  	_ =	swait.ge [sflag:s12], $0x50  }
0x12: {  	[sflag:s12] =	ssyncset.done $0x0  }
0x13: {  	[sflag:s12] =	ssyncadd.s32 $0xFFFFFFB0  }
0x14: {  	[tilespmem:$0x380] =	vst v0  }
0x15: {  	[tilespmem:$0x390] =	vst v0  }
0x16: {  	s20 =	sadd.s32 $0x0, s10;
	[tilespmem:$0x3A0] =	vst v0  }
0x17: {  	s21 =	sand.u32 $0xFFFFF80, s20;
	[tilespmem:$0x3B0] =	vst v0  }
0x18: {  	s20 =	sand.u32 $0x70, s20;
	s21 =	sadd.s32 s21, s7;
	[tilespmem:$0x3C0] =	vst v0  }
0x19: {  	s20 =	sadd.s32 s20, s21;
	[bflag:$0x0] =	sbarrier.arrive $0xFFFF  }
0x1a: {  	[tilespmem:s13], [sflag:$0x1] =	stream.linear.gather [hbm4b:s20+s3], $0x80, $0x38;
	[tilespmem:$0x680] =	vst v63  }
0x1b: {  	_ =	swait.ge [sflag:s12], $0x80  }
0x1c: {  	s31 =	sadd.s32 $0x10, s10;
	[sflag:s12] =	ssyncset.done $0x0  }
0x1d: {  	s22 =	sand.u32 $0xFFFFF80, s31;
	[sflag:s12] =	ssyncadd.s32 $0xFFFFFF80  }
0x1e: {  	[spmem:s2] =	stream.indirect.scatter.add.f32 [tilespmem:s15], [sflag:$0x1], $0x1, s13, s14, $0xb8;
	[tilespmem:$0x680] =	vst v63  }
0x1f: {  	s22 =	sadd.s32 s22, s7;
	_ =	swait.ge [sflag:s12], $0x50  }
0x20: {  	s21 =	sand.u32 $0x70, s31;
	s20 =	simm.s32 $0x20;
	[sflag:s12] =	ssyncset.done $0x0  }
.LBB2_2:
0x21: {  	s21 =	sadd.s32 s21, s22  }
0x22: {  	[sflag:s12] =	ssyncadd.s32 $0xFFFFFFB0;
	s22 =	smov.u32 s20;
	s23 =	sadd.s32 $0x10, s20  }
0x23: {  	[tilespmem:s13], [sflag:$0x1] =	stream.linear.gather [hbm4b:s21+s3], $0x80, $0x38;
	[tilespmem:$0x680] =	vst v63  }
0x24: {  	p0 =	sne.s32 s20, $0x7C0;
	_ =	swait.ge [sflag:s12], $0x80  }
.Ltmp0:
0x25: {  	[sflag:s12] =	ssyncset.done $0x0;
	(pc) =	sbr.rel @p0 .LBB2_2-.Ltmp0, $4  }
0x26: {  	s20 =	sadd.s32 s22, s10;
	[sflag:s12] =	ssyncadd.s32 $0xFFFFFF80  }
0x27: {  	[spmem:s2] =	stream.indirect.scatter.add.f32 [tilespmem:s15], [sflag:$0x1], $0x1, s13, s14, $0xb8;
	[tilespmem:$0x680] =	vst v63  }
0x28: {  	s22 =	sand.u32 $0xFFFFF80, s20;
	s21 =	sand.u32 $0x70, s20;
	_ =	swait.ge [sflag:s12], $0x50  }
0x29: {  	s20 =	smov.u32 s23;
	s22 =	sadd.s32 s22, s7;
	[sflag:s12] =	ssyncset.done $0x0  }
0x2a: {  	s20 =	sadd.s32 s21, s22;
	[sflag:s12] =	ssyncadd.s32 $0xFFFFFFB0  }
0x2b: {  	[tilespmem:s13], [sflag:$0x1] =	stream.linear.gather [hbm4b:s20+s3], $0x80, $0x38;
	[tilespmem:$0x680] =	vst v63  }
0x2c: {  	_ =	swait.ge [sflag:s12], $0x80  }
0x2d: {  	[sflag:s12] =	ssyncset.done $0x0  }
0x2e: {  	[sflag:s12] =	ssyncadd.s32 $0xFFFFFF80  }
0x2f: {  	[spmem:s2] =	stream.indirect.scatter.add.f32 [tilespmem:s15], [sflag:$0x1], $0x1, s13, s14, $0xb8;
	[tilespmem:$0x680] =	vst v63  }
0x30: {  	_ =	swait.ge [sflag:s12], $0x50  }
0x31: {  	[sflag:s12] =	ssyncset.done $0x0  }
0x32: {  	[sflag:s12] =	ssyncadd.s32 $0xFFFFFFB0  }
0x33: {  	[bflag:$0x0] =	sbarrier.arrive $0xFFFF  }
0x34: {  	[tilespmem:s16], [sflag:$0x1] =	stream.linear.gather [spmem:s4], $0x280, $0x38;
	[tilespmem:$0x680] =	vst v63  }
0x35: {  	s19 =	sadd.s32 $0x1, s19;
	_ =	swait.ge [sflag:s12], $0x280  }
0x36: {  	p0 =	sne.s32 s19, s9;
	[sflag:s12] =	ssyncset.done $0x0  }
.Ltmp1:
0x37: {  	[sflag:s12] =	ssyncadd.s32 $0xFFFFFD80;
	(pc) =	sbr.rel @p0 .LBB2_1-.Ltmp1, $4  }
0x38: {  	[hbm4b:s8+s17] =	stream.strided.scatter [tilespmem:s16], [sflag:$0x1], $0x280, s18, s17, $0x38;
	[tilespmem:$0x680] =	vst v63  }
0x39: {  	_ =	swait.ge [sflag:s12], $0x280  }
0x3a: {  	[sflag:s12] =	ssyncset.done $0x0  }
0x3b: {  	[sflag:s12] =	ssyncadd.s32 $0xFFFFFD80  }
0x3c: {  	_ =	sfence.sel $0x180000  }
0x3d: {  	[bflag:$0x0] =	sbarrier.arrive $0xFFFF  }
0x3e: {  	p0 =	sne.s32 s0, $0x0;
	_ =	strace $0x90000047  }
0x3f: {  	s0 =	sadd.s32 @!p0 $0x100000, s1;
	[bflag:$0x2] =	sbarrier.arrive $0xFFFF  }
0x40: {  	[sflag:s0] =	ssyncadd.tile.s32 @!p0 $0x1;
	_ =	shalt  }
.Lfunc_end2:
_tile_overlayer_lowered:
.L_overlay_start_2:
0x41: {  	(tag) =	ssettag $0x2  }
0x42: {  	s0 =	rddreg [dreg:$0x0];
	s2 =	stileid.u32  }
0x43: {  	s1 =	rddreg [dreg:$0x1];
	p0 =	sne.s32 s2, $0x0  }
0x44: {  	s3 =	rddreg [dreg:$0x2];
	[bflag:$0x3] =	sbarrier.arrive $0xFFFF;
	s2 =	simm.s32 @!p0 $0x1C01  }
0x45: {  	[timem:s3], [sflag:s2] =	dma.local @!p0 [hbm:s0], s1  }
0x46: {  	s0 =	simm.s32 @!p0 $0x1  }
0x47: {  	_ =	swait.ge @!p0 [sflag:s0], s1  }
0x48: {  	s1 =	ssub.s32 @!p0 $0x0, s1;
	[sflag:s0] =	ssyncset.done @!p0 $0x0  }
0x49: {  	[sflag:s0] =	ssyncadd.s32 @!p0 s1  }
0x4a: {  	[bflag:$0x3] =	sbarrier.arrive $0xFFFF  }
0x4b: {  	_ =	shalt  }

// kernel: kernel.13.cloned.1.call-start
scs
__scs_entry_jumppad:
0x0: {  	(pc) =	sbr.rel $0x88, $3  }
0x1: {  	(tag) =	ssettag $0x0;
	lr =	simm.s32 $0x1  }
0x2: {  	[smem:$0x3F95] =	sst lr;
	_ =	strace $0xD0000000  }
0x3: {  	_ = 	snop  }
0x4: {  	_ = 	snop  }
0x5: {  	_ = 	snop  }
0x6: {  	_ = 	snop  }
0x7: {  	_ = 	snop  }
__scs_overlays_trampoline_lowered:
0x8: {  	[smem:$0x3FA4] =	sst s0  }
0x9: {  	[smem:$0x3FA5] =	sst s1  }
0xa: {  	[smem:$0x3FA6] =	sst s2  }
0xb: {  	[smem:$0x3FA7] =	sst s3  }
0xc: {  	[smem:$0x3FA8] =	sst s4  }
0xd: {  	[smem:$0x3FA9] =	sst s5  }
0xe: {  	[smem:$0x3FAA] =	sst s6  }
0xf: {  	[smem:$0x3FAB] =	sst s7  }
0x10: {  	[smem:$0x3FAC] =	sst s8  }
0x11: {  	[smem:$0x3FAD] =	sst s9;
	s0 =	simm.s32 @!p0 $0x0  }
0x12: {  	s1 =	sld [smem:$0x3F93];
	s0 =	simm.s32 @p0 $0x1  }
0x13: {  	[smem:$0x3FAE] =	sst s0;
	s0 =	simm.s32 @!p1 $0x0  }
0x14: {  	s2 =	sld [smem:$0x3F92];
	s0 =	simm.s32 @p1 $0x1  }
0x15: {  	[smem:$0x3FAF] =	sst s0;
	s0 =	simm.s32 @!p2 $0x0  }
0x16: {  	s3 =	sld [smem:$0x3FDB];
	s0 =	simm.s32 @p2 $0x1  }
0x17: {  	s4 =	simm.s32 $0x1BF5;
	[smem:$0x3FB1] =	sst s0  }
0x18: {  	s0 =	sld [smem:$0x3F94];
	_ =	swait.ge [sflag:s4], $0x0  }
0x19: {  	s7 =	sld [smem:$0x3F95]  }
0x1a: {  	s8 =	sadd.s32 $0xFFFFE003, lr  }
0x1b: {  	s9 =	sadd.s32 $0xFFFFFEF7, lr;
	s5 =	simm.s32 $0xFFFFFFFF;
	p2 =	slt.u32 s8, $0xFFFFF086  }
0x1c: {  	p1 =	slt.u32 s9, $0xF7A;
	s5 =	simm.s32 @!p2 $0x0  }
0x1d: {  	s5 =	simm.s32 @p1 $0x1;
	p0 =	seq.s32 s7, s2  }
0x1e: {  	s7 =	smul.u32 @!p0 $0xF7A, s2;
	p2 =	seq.s32 @!p0 s5, $0x0  }
0x1f: {  	s9 =	smul.u32 $0xF7A, s1;
	s8 =	simm.s32 @!p0 $0x1BF5;
	p2 =	por !p2, p0  }
0x20: {  	[sflag:s8] =	ssyncset.s32 @!p0 $0xFFFFF086;
	s6 =	sadd.s32 @!p0 s3, s7;
	s7 =	simm.s32 @!p0 $0x108  }
0x21: {  	s3 =	sadd.s32 s3, s9;
	s6 =	sadd.s32 @!p0 $0x88, s6;
	s7 =	simm.s32 @p2 $0x1082  }
0x22: {  	[simem:s7], [sflag:s8] =	dma.local @!p0 [hbm:s6], $0xF7A  }
0x23: {  	s9 =	sor.u32 $0xD0000000, s2;
	s6 =	simm.s32 $0x108;
	_ =	swait.ge @!p0 [sflag:s8], $0x0  }
0x24: {  	s3 =	sadd.s32 $0x88, s3;
	s6 =	simm.s32 @!p1 $0x1082;
	[sflag:s4] =	ssyncset.s32 $0xFFFFF086  }
0x25: {  	[simem:s6], [sflag:s4] =	dma.local [hbm:s3], $0xF7A  }
0x26: {  	[smem:$0x3F95] =	sst s1;
	(tag) =	ssettag s2;
	_ =	strace s9  }
0x27: {  	s1 =	sld [smem:$0x3FA5]  }
0x28: {  	s2 =	sld [smem:$0x3FA6]  }
0x29: {  	s4 =	sld [smem:$0x3FA8]  }
0x2a: {  	p0 =	seq.s32 s5, $0x0;
	s5 =	sld [smem:$0x3FA9]  }
0x2b: {  	s6 =	sld [smem:$0x3FAA]  }
0x2c: {  	s7 =	sld [smem:$0x3FAB]  }
0x2d: {  	s3 =	simm.s32 $0x108;
	s8 =	sld [smem:$0x3FAC]  }
0x2e: {  	s3 =	simm.s32 @!p0 $0x1082;
	s9 =	sld [smem:$0x3FAD]  }
0x2f: {  	lr =	sadd.s32 s0, s3;
	s0 =	sld [smem:$0x3FA4]  }
0x30: {  	s3 =	sld [smem:$0x3FA7]  }
0x31: {  	[smem:$0x3FB0] =	sst s10  }
0x32: {  	s10 =	sld [smem:$0x3FAE];
	_ =	sdelay $0x3  }
0x33: {  	p0 =	seq.s32 s10, $0x1;
	s10 =	sld [smem:$0x3FB0];
	_ =	sdelay $0x3  }
0x34: {  	[smem:$0x3FB0] =	sst s10  }
0x35: {  	s10 =	sld [smem:$0x3FAF];
	_ =	sdelay $0x3  }
0x36: {  	p1 =	seq.s32 s10, $0x1;
	s10 =	sld [smem:$0x3FB0];
	_ =	sdelay $0x3  }
0x37: {  	[smem:$0x3FB0] =	sst s10  }
0x38: {  	s10 =	sld [smem:$0x3FB1]  }
0x39: {  	_ = 	snop;
	(pc) =	sbr.ind lr, $3  }
0x3a: {  	_ = 	snop  }
0x3b: {  	_ = 	snop  }
0x3c: {  	p2 =	seq.s32 s10, $0x1;
	s10 =	sld [smem:$0x3FB0]  }
0x3d: {  	_ =	shalt  }
0x3e: {  	_ =	shalt  }
0x3f: {  	_ =	shalt  }
0x40: {  	_ =	shalt  }
0x41: {  	_ =	shalt  }
0x42: {  	_ =	shalt  }
0x43: {  	_ =	shalt  }
0x44: {  	_ =	shalt  }
0x45: {  	_ =	shalt  }
0x46: {  	_ =	shalt  }
0x47: {  	_ =	shalt  }
0x48: {  	_ =	shalt  }
0x49: {  	_ =	shalt  }
0x4a: {  	_ =	shalt  }
0x4b: {  	_ =	shalt  }
0x4c: {  	_ =	shalt  }
0x4d: {  	_ =	shalt  }
0x4e: {  	_ =	shalt  }
0x4f: {  	_ =	shalt  }
0x50: {  	_ =	shalt  }
0x51: {  	_ =	shalt  }
0x52: {  	_ =	shalt  }
0x53: {  	_ =	shalt  }
0x54: {  	_ =	shalt  }
0x55: {  	_ =	shalt  }
0x56: {  	_ =	shalt  }
0x57: {  	_ =	shalt  }
0x58: {  	_ =	shalt  }
0x59: {  	_ =	shalt  }
0x5a: {  	_ =	shalt  }
0x5b: {  	_ =	shalt  }
0x5c: {  	_ =	shalt  }
0x5d: {  	_ =	shalt  }
0x5e: {  	_ =	shalt  }
0x5f: {  	_ =	shalt  }
0x60: {  	_ =	shalt  }
0x61: {  	_ =	shalt  }
0x62: {  	_ =	shalt  }
0x63: {  	_ =	shalt  }
0x64: {  	_ =	shalt  }
0x65: {  	_ =	shalt  }
0x66: {  	_ =	shalt  }
0x67: {  	_ =	shalt  }
0x68: {  	_ =	shalt  }
0x69: {  	_ =	shalt  }
0x6a: {  	_ =	shalt  }
0x6b: {  	_ =	shalt  }
0x6c: {  	_ =	shalt  }
0x6d: {  	_ =	shalt  }
0x6e: {  	_ =	shalt  }
0x6f: {  	_ =	shalt  }
0x70: {  	_ =	shalt  }
0x71: {  	_ =	shalt  }
0x72: {  	_ =	shalt  }
0x73: {  	_ =	shalt  }
0x74: {  	_ =	shalt  }
0x75: {  	_ =	shalt  }
0x76: {  	_ =	shalt  }
0x77: {  	_ =	shalt  }
0x78: {  	_ =	shalt  }
0x79: {  	_ =	shalt  }
0x7a: {  	_ =	shalt  }
0x7b: {  	_ =	shalt  }
0x7c: {  	_ =	shalt  }
0x7d: {  	_ =	shalt  }
0x7e: {  	_ =	shalt  }
0x7f: {  	_ =	shalt  }
0x80: {  	_ =	shalt  }
0x81: {  	_ =	shalt  }
0x82: {  	_ =	shalt  }
0x83: {  	_ =	shalt  }
0x84: {  	_ =	shalt  }
0x85: {  	_ =	shalt  }
0x86: {  	_ =	shalt  }
0x87: {  	_ =	shalt  }
.Lfunc_end0:
.L_simem_size_0:
called_computation.1_lowered:
.L_overlay_start_0:
0x88: {  	s2 =	sld [smem:$0x3FD9]  }
0x89: {  	s3 =	sld [smem:$0x3FFE];
	_ =	sdelay $0x1  }
0x8a: {  	s1 =	srdreg.scid  }
0x8b: {  	s0 =	sand.u32 $0x1, s1  }
0x8c: {  	s16 =	sshll.u32 s0, $0xA;
	s2 =	sadd.s32 s3, s2  }
0x8d: {  	s2 =	sadd.s32 s2, s16  }
0x8e: {  	[smem:$0x3FBC] =	sst s2  }
0x8f: {  	_ = 	snop  }
0x90: {  	(tm) =	ssettm $0x1  }
0x91: {  	s17 =	sld [smem:$0x3FFB];
	_ =	sdelay $0x3  }
0x92: {  	_ =	strace s17  }
0x93: {  	s2 =	sld [smem:$0x3FFC];
	_ =	sdelay $0x3  }
0x94: {  	_ =	strace s2  }
0x95: {  	s2 =	sld [smem:$0x3FFD];
	_ =	sdelay $0x3  }
0x96: {  	_ =	strace s2  }
0x97: {  	_ =	strace $0x8FFFFFFF  }
0x98: {  	s18 =	sld [smem:$0x3FDB];
	_ =	sdelay $0x1  }
0x99: {  	s19 =	simm.s32 $_scs_section_size  }
0x9a: {  	s4 =	simm.s32 $_size__tile_overlayer_lowered;
	s5 =	simm.s32 $_tile_overlayer_lowered  }
0x9b: {  	s22 =	simm.s32 $0x1BFF;
	s21 =	sshll.u32 s5, $0x1;
	s2 =	sadd.s32 s19, s18  }
0x9c: {  	s6 =	simm.s32 $0x0;
	s20 =	sshll.u32 s4, $0x1;
	s4 =	sadd.s32 s21, s2  }
0x9d: {  	[timem:s6], [sflag:s22] =	dma.local [hbm:s4], s20  }
0x9e: {  	_ =	swait.ge [sflag:s22], s20  }
0x9f: {  	s3 =	ssub.s32 $0x0, s20;
	[sflag:s22] =	ssyncset.done $0x0  }
0xa0: {  	[sflag:s22] =	ssyncadd.s32 s3;
	_ =	sdelay $0x1  }
0xa1: {  	s23 =	simm.s32 $0x1B8B  }
0xa2: {  	_ =	swait.ge [sflag:s23], $0x1  }
0xa3: {  	[sflag:s23] =	ssyncset.done $0x0  }
0xa4: {  	s25 =	simm.s32 $0x1B8E;
	s24 =	sld [smem:$0x3FFE];
	[sflag:s23] =	ssyncadd.s32 $0xFFFFFFFF  }
0xa5: {  	s26 =	simm.s32 $execute0_lowered;
	[smem:$0x3FD2] =	sst s25  }
0xa6: {  	s4 =	sshll.u32 s26, $0x1;
	_ =	strace $0x80000049;
	[dreg:$0x1] =	wrdreg $0xFFFFFFFF  }
0xa7: {  	s28 =	simm.s32 $_size_execute0_lowered;
	s2 =	sadd.s32 s2, s4;
	[dreg:$0x0] =	wrdreg $0x0  }
0xa8: {  	s4 =	sshll.u32 s28, $0x1;
	[dreg:$0x2] =	wrdreg s2  }
0xa9: {  	[dreg:$0x3] =	wrdreg s4  }
0xaa: {  	[dreg:$0x4] =	wrdreg $0xC0  }
0xab: {  	_ =	task [dreg:s6], $0x5FFFF  }
0xac: {  	[dreg:$0x1] =	wrdreg $0xFFFFFFFF  }
0xad: {  	[dreg:$0x0] =	wrdreg $0x60  }
0xae: {  	[dreg:$0x2] =	wrdreg s24  }
0xaf: {  	[dreg:$0x3] =	wrdreg $0x0  }
0xb0: {  	[dreg:$0x4] =	wrdreg $0x9  }
0xb1: {  	_ =	task.clear_ibuf [dreg:s6], $0x5FFFF;
	_ =	strace $0x90000049  }
0xb2: {  	s29 =	simm.s32 $0x9;
	_ =	strace $0x8000004B  }
0xb3: {  	_ =	swait.ge [sflag:s29], $0x1  }
0xb4: {  	[sflag:s29] =	ssyncadd.s32 $0xFFFFFFFF  }
0xb5: {  	_ =	strace $0x9000004B  }
0xb6: {  	_ =	sfence  }
0xb7: {  	s30 =	sld [smem:$0x0];
	_ =	sdelay $0x2  }
0xb8: {  	s31 =	sshll.u32 s1, $0xD;
	s1 =	sshrl.u32 s1, $0x2  }
0xb9: {  	s3 =	sand.u32 $0x4000, s31;
	s1 =	sadd.s32 s1, s30  }
0xba: {  	s0 =	sor.u32 s3, s0;
	s1 =	sshll.u32 s1, $0x11  }
0xbb: {  	s0 =	sor.u32 s1, s0  }
0xbc: {  	s0 =	sadd.s32 $0x8F2B, s0  }
0xbd: {  	[sflag:s0] =	ssyncadd.remote.s32 $0x1  }
0xbe: {  	_ =	sfence.sel $0xFFFF  }
0xbf: {  	[dreg:$0x0] =	wrdreg $0xFFFFFFFF;
	(pc) =	sbr.abs _section_cstart, $3  }
0xc0: {  	[dreg:$0x1] =	wrdreg $0xFFFFFFFF  }
0xc1: {  	_ =	task.clear_ibuf [dreg:s6], $0x2FFFF;
	_ =	strace $0x9FFFFFFF  }
0xc2: {  	(tm) =	ssettm $0x7FFFFFFF  }
0xc3: {  	_ =	shalt  }
tec
execute0_lowered:
.L_overlay_start_1:
0x0: {  	(tag) =	ssettag $0x1  }
0x1: {  	s0 =	rddreg [dreg:$0x0];
	s17 =	stileid.u32  }
0x2: {  	s1 =	srdreg.scid;
	s2 =	rddreg [dreg:$0x1];
	s28 =	simm.s32 $0x1  }
0x3: {  	s29 =	simm.s32 $0x14000;
	s30 =	simm.s32 $0x14080;
	s4 =	smul.u32 $0x2800, s17  }
0x4: {  	s31 =	simm.s32 $0x50;
	s1 =	sand.u32 $0x1, s1;
	s6 =	smul.u32 $0x14000, s17  }
0x5: {  	s3 =	sadd.s32 $0x3600, s0;
	s11 =	sadd.s32 $0x71C00, s0;
	s5 =	ssub.s32 $0x2, s1  }
0x6: {  	s10 =	smul.u32 $0x140000, s1;
	s7 =	sshrl.u32 s5, $0x1;
	s21 =	sadd.s32 $0x5000, s6  }
0x7: {  	s22 =	sadd.s32 $0x7800, s6;
	s23 =	sadd.s32 $0xA000, s6;
	s24 =	sadd.s32 $0xC800, s6  }
0x8: {  	s5 =	ssub.s32 s5, s7;
	s7 =	sor.u32 $0x2800, s6;
	s8 =	sadd.s32 s10, s6  }
0x9: {  	s12 =	sadd.s32 s10, s21;
	s20 =	sadd.s32 s10, s22;
	s25 =	sadd.s32 s10, s23  }
0xa: {  	s26 =	sadd.s32 s10, s24;
	s21 =	sadd.s32 s21, s2;
	s22 =	sadd.s32 s22, s2  }
0xb: {  	s23 =	sadd.s32 s23, s2;
	s24 =	sadd.s32 s24, s2;
	s9 =	sadd.s32 s10, s7  }
0xc: {  	s8 =	sshrl.u32 s8, $0x3;
	s19 =	sshrl.u32 s12, $0x3;
	s14 =	sshrl.u32 s26, $0x3  }
0xd: {  	s26 =	sshll.u32 s17, $0x6;
	s9 =	sshrl.u32 s9, $0x3;
	s8 =	sadd.s32 s11, s8  }
0xe: {  	s15 =	sadd.s32 s11, s14;
	[dreg:$0x3] =	wrdreg s8;
	s18 =	sadd.s32 s11, s9  }
0xf: {  	s8 =	sadd.s32 s11, s19;
	s9 =	sshrl.u32 s25, $0x3;
	[dreg:$0x8] =	wrdreg s15  }
0x10: {  	s25 =	sadd.s32 $0xF000, s6;
	s6 =	sadd.s32 $0x11800, s6;
	s15 =	smul.u32 $0x7D0, s1  }
0x11: {  	s1 =	smul.u32 $0x3E80, s1;
	s19 =	sadd.s32 s4, s0;
	[dreg:$0x4] =	wrdreg s18  }
0x12: {  	s4 =	simm.s32 $0x0;
	[dreg:$0x5] =	wrdreg s8;
	s8 =	sshrl.u32 s20, $0x3  }
0x13: {  	s13 =	sadd.s32 s11, s9;
	s16 =	sadd.s32 s10, s25;
	s10 =	sadd.s32 s10, s6  }
0x14: {  	s18 =	smul.u32 $0x7D00, s17;
	s25 =	sadd.s32 s25, s2;
	s8 =	sadd.s32 s11, s8  }
0x15: {  	[dreg:$0x7] =	wrdreg s13;
	s13 =	smul.u32 $0xFA0, s17;
	s12 =	sshrl.u32 s16, $0x3  }
0x16: {  	s14 =	sshrl.u32 s10, $0x3;
	s16 =	smul.u32 $0x50000, s17;
	s17 =	sadd.s32 $0x49C00, s19  }
0x17: {  	s19 =	smax.u32 s5, $0x1;
	[dreg:$0x6] =	wrdreg s8;
	s10 =	sadd.s32 s11, s12  }
0x18: {  	s11 =	sadd.s32 s11, s14;
	s12 =	simm.s32 $0x0;
	s14 =	sadd.s32 s1, s18  }
0x19: {  	s18 =	sor.u32 $0x1C01, s26;
	s26 =	sadd.s32 s6, s2;
	s1 =	simm.s32 $0x14100  }
0x1a: {  	s13 =	sadd.s32 s13, s3;
	[smem:$0x7FF] =	sst s12;
	s20 =	sshrl.u32 s16, $0x2  }
0x1b: {  	s13 =	sadd.s32 s15, s13;
	_ =	strace $0x8000004A;
	s15 =	sadd.s32 $0x22A00, s0  }
0x1c: {  	s16 =	sadd.s32 s20, s2;
	s20 =	sadd.s32 s7, s2;
	s0 =	simm.s32 $0x16900  }
.LBB2_1:
0x1d: {  	s5 =	sshrl.u32 s16, $0x3  }
0x1e: {  	[spmem:s5], [sflag:s18] =	dma.local [hbm:s17], $0x2800  }
0x1f: {  	_ =	swait.ge [sflag:s28], $0x2800  }
0x20: {  	[sflag:s28] =	ssyncset.done $0x0  }
0x21: {  	[sflag:s28] =	ssyncadd.s32 $0xFFFFD800  }
0x22: {  	s8 =	sadd.s32 $0x0, s13;
	s6 =	sand.u32 $0x7FFFFF80, s14;
	[bflag:$0x0] =	sbarrier.arrive $0xFFFF  }
0x23: {  	[tilespmem:s29], [sflag:$0x1] =	stream.linear.gather [hbm4b:s8+s12], $0x80, $0x38;
	[tilespmem:$0x19100] =	vst v63  }
0x24: {  	s9 =	sadd.s32 $0x7D000, s6;
	_ =	swait.ge [sflag:s28], $0x80  }
0x25: {  	s5 =	sshrl.u32 s9, $0x3;
	[sflag:s28] =	ssyncset.done $0x0  }
0x26: {  	s5 =	sadd.s32 s3, s5;
	[sflag:s28] =	ssyncadd.s32 $0xFFFFFF80  }
0x27: {  	[tilespmem:s30], [sflag:$0x1] =	stream.linear.gather [hbm4b:s5+s12], $0x80, $0x38;
	[tilespmem:$0x19100] =	vst v63  }
0x28: {  	_ =	swait.ge [sflag:s28], $0x80  }
0x29: {  	[sflag:s28] =	ssyncset.done $0x0  }
0x2a: {  	[sflag:s28] =	ssyncadd.s32 $0xFFFFFF80  }
0x2b: {  	[tilespmem:s1], [sflag:$0x1] =	stream.indirect.gather [hbm4b:s15+s31], $0x80, s29, s31, $0xb8;
	[tilespmem:$0x19100] =	vst v63  }
0x2c: {  	_ =	swait.ge [sflag:s28], $0x2800  }
0x2d: {  	[sflag:s28] =	ssyncset.done $0x0  }
0x2e: {  	[sflag:s28] =	ssyncadd.s32 $0xFFFFD800  }
0x2f: {  	[spmem:s2] =	stream.indirect.scatter.add.f32 [tilespmem:s1], [sflag:$0x1], $0x80, s30, s31, $0xb8;
	[tilespmem:$0x19100] =	vst v63  }
0x30: {  	s7 =	simm.s32 $0x20;
	_ =	swait.ge [sflag:s28], $0x2800  }
0x31: {  	s6 =	simm.s32 $0x10;
	s5 =	sadd.s32 $0x80, s14;
	[sflag:s28] =	ssyncset.done $0x0  }
.LBB2_2:
0x32: {  	s8 =	sadd.s32 s6, s13  }
0x33: {  	s9 =	sand.u32 $0x7FFFFF80, s5;
	[sflag:s28] =	ssyncadd.s32 $0xFFFFD800;
	s6 =	smov.u32 s7  }
0x34: {  	[tilespmem:s29], [sflag:$0x1] =	stream.linear.gather [hbm4b:s8+s12], $0x80, $0x38;
	[tilespmem:$0x19100] =	vst v63  }
0x35: {  	s8 =	sadd.s32 $0x10, s7;
	s9 =	sadd.s32 $0x7D000, s9;
	_ =	swait.ge [sflag:s28], $0x80  }
0x36: {  	p0 =	sne.s32 s7, $0x7C0;
	s7 =	sshrl.u32 s9, $0x3;
	[sflag:s28] =	ssyncset.done $0x0  }
0x37: {  	s7 =	sadd.s32 s3, s7;
	[sflag:s28] =	ssyncadd.s32 $0xFFFFFF80  }
0x38: {  	[tilespmem:s30], [sflag:$0x1] =	stream.linear.gather [hbm4b:s7+s12], $0x80, $0x38;
	[tilespmem:$0x19100] =	vst v63  }
0x39: {  	_ =	swait.ge [sflag:s28], $0x80  }
0x3a: {  	[sflag:s28] =	ssyncset.done $0x0  }
0x3b: {  	[sflag:s28] =	ssyncadd.s32 $0xFFFFFF80  }
0x3c: {  	[tilespmem:s1], [sflag:$0x1] =	stream.indirect.gather [hbm4b:s15+s31], $0x80, s29, s31, $0xb8;
	[tilespmem:$0x19100] =	vst v63  }
0x3d: {  	_ =	swait.ge [sflag:s28], $0x2800  }
.Ltmp0:
0x3e: {  	[sflag:s28] =	ssyncset.done $0x0;
	(pc) =	sbr.rel @p0 .LBB2_2-.Ltmp0, $4  }
0x3f: {  	[sflag:s28] =	ssyncadd.s32 $0xFFFFD800  }
0x40: {  	[spmem:s2] =	stream.indirect.scatter.add.f32 [tilespmem:s1], [sflag:$0x1], $0x80, s30, s31, $0xb8;
	[tilespmem:$0x19100] =	vst v63  }
0x41: {  	_ =	swait.ge [sflag:s28], $0x2800  }
0x42: {  	s5 =	sadd.s32 $0x80, s5;
	s7 =	smov.u32 s8;
	[sflag:s28] =	ssyncset.done $0x0  }
0x43: {  	s6 =	sadd.s32 s6, s13;
	[sflag:s28] =	ssyncadd.s32 $0xFFFFD800;
	s5 =	sand.u32 $0x7FFFFF80, s5  }
0x44: {  	[tilespmem:s29], [sflag:$0x1] =	stream.linear.gather [hbm4b:s6+s12], $0x80, $0x38;
	[tilespmem:$0x19100] =	vst v63  }
0x45: {  	s5 =	sadd.s32 $0x7D000, s5;
	_ =	swait.ge [sflag:s28], $0x80  }
0x46: {  	s5 =	sshrl.u32 s5, $0x3;
	[sflag:s28] =	ssyncset.done $0x0  }
0x47: {  	s5 =	sadd.s32 s3, s5;
	[sflag:s28] =	ssyncadd.s32 $0xFFFFFF80  }
0x48: {  	[tilespmem:s30], [sflag:$0x1] =	stream.linear.gather [hbm4b:s5+s12], $0x80, $0x38;
	[tilespmem:$0x19100] =	vst v63  }
0x49: {  	_ =	swait.ge [sflag:s28], $0x80  }
0x4a: {  	[sflag:s28] =	ssyncset.done $0x0  }
0x4b: {  	[sflag:s28] =	ssyncadd.s32 $0xFFFFFF80  }
0x4c: {  	[tilespmem:s1], [sflag:$0x1] =	stream.indirect.gather [hbm4b:s15+s31], $0x80, s29, s31, $0xb8;
	[tilespmem:$0x19100] =	vst v63  }
0x4d: {  	_ =	swait.ge [sflag:s28], $0x2800  }
0x4e: {  	[sflag:s28] =	ssyncset.done $0x0  }
0x4f: {  	[sflag:s28] =	ssyncadd.s32 $0xFFFFD800  }
0x50: {  	[spmem:s2] =	stream.indirect.scatter.add.f32 [tilespmem:s1], [sflag:$0x1], $0x80, s30, s31, $0xb8;
	[tilespmem:$0x19100] =	vst v63  }
0x51: {  	_ =	swait.ge [sflag:s28], $0x2800  }
0x52: {  	[sflag:s28] =	ssyncset.done $0x0  }
0x53: {  	[sflag:s28] =	ssyncadd.s32 $0xFFFFD800  }
0x54: {  	[bflag:$0x0] =	sbarrier.arrive $0xFFFF  }
0x55: {  	[tilespmem:s0], [sflag:$0x1] =	stream.linear.gather [spmem:s16], $0x2800, $0x38;
	[tilespmem:$0x19100] =	vst v63  }
0x56: {  	_ =	swait.ge [sflag:s28], $0x2800  }
0x57: {  	[sflag:s28] =	ssyncset.done $0x0  }
0x58: {  	s8 =	rddreg [dreg:$0x3];
	[sflag:s28] =	ssyncadd.s32 $0xFFFFD800  }
0x59: {  	[hbm4b:s8+s12] =	stream.linear.scatter [tilespmem:s0], [sflag:$0x1], $0x2800, $0x38;
	[tilespmem:$0x19100] =	vst v63  }
0x5a: {  	_ =	swait.ge [sflag:s28], $0x2800  }
0x5b: {  	[sflag:s28] =	ssyncset.done $0x0  }
0x5c: {  	[sflag:s28] =	ssyncadd.s32 $0xFFFFD800  }
0x5d: {  	[tilespmem:s0], [sflag:$0x1] =	stream.linear.gather [spmem:s20], $0x2800, $0x38;
	[tilespmem:$0x19100] =	vst v63  }
0x5e: {  	_ =	swait.ge [sflag:s28], $0x2800  }
0x5f: {  	[sflag:s28] =	ssyncset.done $0x0  }
0x60: {  	s9 =	rddreg [dreg:$0x4];
	[sflag:s28] =	ssyncadd.s32 $0xFFFFD800  }
0x61: {  	[hbm4b:s9+s12] =	stream.linear.scatter [tilespmem:s0], [sflag:$0x1], $0x2800, $0x38;
	[tilespmem:$0x19100] =	vst v63  }
0x62: {  	_ =	swait.ge [sflag:s28], $0x2800  }
0x63: {  	[sflag:s28] =	ssyncset.done $0x0  }
0x64: {  	[sflag:s28] =	ssyncadd.s32 $0xFFFFD800  }
0x65: {  	[tilespmem:s0], [sflag:$0x1] =	stream.linear.gather [spmem:s21], $0x2800, $0x38;
	[tilespmem:$0x19100] =	vst v63  }
0x66: {  	_ =	swait.ge [sflag:s28], $0x2800  }
0x67: {  	[sflag:s28] =	ssyncset.done $0x0  }
0x68: {  	s6 =	rddreg [dreg:$0x5];
	[sflag:s28] =	ssyncadd.s32 $0xFFFFD800  }
0x69: {  	[hbm4b:s6+s12] =	stream.linear.scatter [tilespmem:s0], [sflag:$0x1], $0x2800, $0x38;
	[tilespmem:$0x19100] =	vst v63  }
0x6a: {  	_ =	swait.ge [sflag:s28], $0x2800  }
0x6b: {  	[sflag:s28] =	ssyncset.done $0x0  }
0x6c: {  	[sflag:s28] =	ssyncadd.s32 $0xFFFFD800  }
0x6d: {  	[tilespmem:s0], [sflag:$0x1] =	stream.linear.gather [spmem:s22], $0x2800, $0x38;
	[tilespmem:$0x19100] =	vst v63  }
0x6e: {  	_ =	swait.ge [sflag:s28], $0x2800  }
0x6f: {  	[sflag:s28] =	ssyncset.done $0x0  }
0x70: {  	s7 =	rddreg [dreg:$0x6];
	[sflag:s28] =	ssyncadd.s32 $0xFFFFD800  }
0x71: {  	[hbm4b:s7+s12] =	stream.linear.scatter [tilespmem:s0], [sflag:$0x1], $0x2800, $0x38;
	[tilespmem:$0x19100] =	vst v63  }
0x72: {  	_ =	swait.ge [sflag:s28], $0x2800  }
0x73: {  	[sflag:s28] =	ssyncset.done $0x0  }
0x74: {  	[sflag:s28] =	ssyncadd.s32 $0xFFFFD800  }
0x75: {  	[tilespmem:s0], [sflag:$0x1] =	stream.linear.gather [spmem:s23], $0x2800, $0x38;
	[tilespmem:$0x19100] =	vst v63  }
0x76: {  	_ =	swait.ge [sflag:s28], $0x2800  }
0x77: {  	[sflag:s28] =	ssyncset.done $0x0  }
0x78: {  	s8 =	rddreg [dreg:$0x7];
	[sflag:s28] =	ssyncadd.s32 $0xFFFFD800  }
0x79: {  	[hbm4b:s8+s12] =	stream.linear.scatter [tilespmem:s0], [sflag:$0x1], $0x2800, $0x38;
	[tilespmem:$0x19100] =	vst v63  }
0x7a: {  	_ =	swait.ge [sflag:s28], $0x2800  }
0x7b: {  	[sflag:s28] =	ssyncset.done $0x0  }
0x7c: {  	[sflag:s28] =	ssyncadd.s32 $0xFFFFD800  }
0x7d: {  	[tilespmem:s0], [sflag:$0x1] =	stream.linear.gather [spmem:s24], $0x2800, $0x38;
	[tilespmem:$0x19100] =	vst v63  }
0x7e: {  	_ =	swait.ge [sflag:s28], $0x2800  }
0x7f: {  	[sflag:s28] =	ssyncset.done $0x0  }
0x80: {  	s9 =	rddreg [dreg:$0x8];
	[sflag:s28] =	ssyncadd.s32 $0xFFFFD800  }
0x81: {  	[hbm4b:s9+s12] =	stream.linear.scatter [tilespmem:s0], [sflag:$0x1], $0x2800, $0x38;
	[tilespmem:$0x19100] =	vst v63  }
0x82: {  	_ =	swait.ge [sflag:s28], $0x2800  }
0x83: {  	[sflag:s28] =	ssyncset.done $0x0  }
0x84: {  	[sflag:s28] =	ssyncadd.s32 $0xFFFFD800  }
0x85: {  	[tilespmem:s0], [sflag:$0x1] =	stream.linear.gather [spmem:s25], $0x2800, $0x38;
	[tilespmem:$0x19100] =	vst v63  }
0x86: {  	_ =	swait.ge [sflag:s28], $0x2800  }
0x87: {  	[sflag:s28] =	ssyncset.done $0x0  }
0x88: {  	[sflag:s28] =	ssyncadd.s32 $0xFFFFD800  }
0x89: {  	[hbm4b:s10+s12] =	stream.linear.scatter [tilespmem:s0], [sflag:$0x1], $0x2800, $0x38;
	[tilespmem:$0x19100] =	vst v63  }
0x8a: {  	_ =	swait.ge [sflag:s28], $0x2800  }
0x8b: {  	[sflag:s28] =	ssyncset.done $0x0  }
0x8c: {  	[sflag:s28] =	ssyncadd.s32 $0xFFFFD800  }
0x8d: {  	[tilespmem:s0], [sflag:$0x1] =	stream.linear.gather [spmem:s26], $0x2800, $0x38;
	[tilespmem:$0x19100] =	vst v63  }
0x8e: {  	s4 =	sadd.s32 $0x1, s4;
	_ =	swait.ge [sflag:s28], $0x2800  }
0x8f: {  	p0 =	sne.s32 s4, s19;
	[sflag:s28] =	ssyncset.done $0x0  }
.Ltmp1:
0x90: {  	[sflag:s28] =	ssyncadd.s32 $0xFFFFD800;
	(pc) =	sbr.rel @p0 .LBB2_1-.Ltmp1, $4  }
0x91: {  	[hbm4b:s11+s12] =	stream.linear.scatter [tilespmem:s0], [sflag:$0x1], $0x2800, $0x38;
	[tilespmem:$0x19100] =	vst v63  }
0x92: {  	_ =	swait.ge [sflag:s28], $0x2800  }
0x93: {  	[sflag:s28] =	ssyncset.done $0x0  }
0x94: {  	[sflag:s28] =	ssyncadd.s32 $0xFFFFD800  }
0x95: {  	_ =	sfence.sel $0x180000  }
0x96: {  	[bflag:$0x0] =	sbarrier.arrive $0xFFFF  }
0x97: {  	_ =	strace $0x9000004A  }
0x98: {  	s0 =	stileid.u32;
	[bflag:$0x2] =	sbarrier.arrive $0xFFFF  }
0x99: {  	p0 =	sne.s32 s0, $0x0;
	s0 =	rddreg [dreg:$0x2]  }
0x9a: {  	s0 =	sadd.s32 @!p0 $0x100000, s0  }
0x9b: {  	[sflag:s0] =	ssyncadd.tile.s32 @!p0 $0x1;
	_ =	shalt  }
.Lfunc_end2:
_tile_overlayer_lowered:
.L_overlay_start_2:
0x9c: {  	(tag) =	ssettag $0x2  }
0x9d: {  	s0 =	rddreg [dreg:$0x0];
	s2 =	stileid.u32  }
0x9e: {  	s1 =	rddreg [dreg:$0x1];
	p0 =	sne.s32 s2, $0x0  }
0x9f: {  	s3 =	rddreg [dreg:$0x2];
	[bflag:$0x3] =	sbarrier.arrive $0xFFFF;
	s2 =	simm.s32 @!p0 $0x1C01  }
0xa0: {  	[timem:s3], [sflag:s2] =	dma.local @!p0 [hbm:s0], s1  }
0xa1: {  	s0 =	simm.s32 @!p0 $0x1  }
0xa2: {  	_ =	swait.ge @!p0 [sflag:s0], s1  }
0xa3: {  	s1 =	ssub.s32 @!p0 $0x0, s1;
	[sflag:s0] =	ssyncset.done @!p0 $0x0  }
0xa4: {  	[sflag:s0] =	ssyncadd.s32 @!p0 s1  }
0xa5: {  	[bflag:$0x3] =	sbarrier.arrive $0xFFFF  }
0xa6: {  	_ =	shalt  }

// kernel: kernel.16.cloned.1.call-start
scs
__scs_entry_jumppad:
0x0: {  	(pc) =	sbr.rel $0x88, $3  }
0x1: {  	(tag) =	ssettag $0x0;
	lr =	simm.s32 $0x1  }
0x2: {  	[smem:$0x3F95] =	sst lr;
	_ =	strace $0xD0000000  }
0x3: {  	_ = 	snop  }
0x4: {  	_ = 	snop  }
0x5: {  	_ = 	snop  }
0x6: {  	_ = 	snop  }
0x7: {  	_ = 	snop  }
__scs_overlays_trampoline_lowered:
0x8: {  	[smem:$0x3FA4] =	sst s0  }
0x9: {  	[smem:$0x3FA5] =	sst s1  }
0xa: {  	[smem:$0x3FA6] =	sst s2  }
0xb: {  	[smem:$0x3FA7] =	sst s3  }
0xc: {  	[smem:$0x3FA8] =	sst s4  }
0xd: {  	[smem:$0x3FA9] =	sst s5  }
0xe: {  	[smem:$0x3FAA] =	sst s6  }
0xf: {  	[smem:$0x3FAB] =	sst s7  }
0x10: {  	[smem:$0x3FAC] =	sst s8  }
0x11: {  	[smem:$0x3FAD] =	sst s9;
	s0 =	simm.s32 @!p0 $0x0  }
0x12: {  	s1 =	sld [smem:$0x3F93];
	s0 =	simm.s32 @p0 $0x1  }
0x13: {  	[smem:$0x3FAE] =	sst s0;
	s0 =	simm.s32 @!p1 $0x0  }
0x14: {  	s2 =	sld [smem:$0x3F92];
	s0 =	simm.s32 @p1 $0x1  }
0x15: {  	[smem:$0x3FAF] =	sst s0;
	s0 =	simm.s32 @!p2 $0x0  }
0x16: {  	s3 =	sld [smem:$0x3FDB];
	s0 =	simm.s32 @p2 $0x1  }
0x17: {  	s4 =	simm.s32 $0x1BF5;
	[smem:$0x3FB1] =	sst s0  }
0x18: {  	s0 =	sld [smem:$0x3F94];
	_ =	swait.ge [sflag:s4], $0x0  }
0x19: {  	s7 =	sld [smem:$0x3F95]  }
0x1a: {  	s8 =	sadd.s32 $0xFFFFE003, lr  }
0x1b: {  	s9 =	sadd.s32 $0xFFFFFEF7, lr;
	s5 =	simm.s32 $0xFFFFFFFF;
	p2 =	slt.u32 s8, $0xFFFFF086  }
0x1c: {  	p1 =	slt.u32 s9, $0xF7A;
	s5 =	simm.s32 @!p2 $0x0  }
0x1d: {  	s5 =	simm.s32 @p1 $0x1;
	p0 =	seq.s32 s7, s2  }
0x1e: {  	s7 =	smul.u32 @!p0 $0xF7A, s2;
	p2 =	seq.s32 @!p0 s5, $0x0  }
0x1f: {  	s9 =	smul.u32 $0xF7A, s1;
	s8 =	simm.s32 @!p0 $0x1BF5;
	p2 =	por !p2, p0  }
0x20: {  	[sflag:s8] =	ssyncset.s32 @!p0 $0xFFFFF086;
	s6 =	sadd.s32 @!p0 s3, s7;
	s7 =	simm.s32 @!p0 $0x108  }
0x21: {  	s3 =	sadd.s32 s3, s9;
	s6 =	sadd.s32 @!p0 $0x88, s6;
	s7 =	simm.s32 @p2 $0x1082  }
0x22: {  	[simem:s7], [sflag:s8] =	dma.local @!p0 [hbm:s6], $0xF7A  }
0x23: {  	s9 =	sor.u32 $0xD0000000, s2;
	s6 =	simm.s32 $0x108;
	_ =	swait.ge @!p0 [sflag:s8], $0x0  }
0x24: {  	s3 =	sadd.s32 $0x88, s3;
	s6 =	simm.s32 @!p1 $0x1082;
	[sflag:s4] =	ssyncset.s32 $0xFFFFF086  }
0x25: {  	[simem:s6], [sflag:s4] =	dma.local [hbm:s3], $0xF7A  }
0x26: {  	[smem:$0x3F95] =	sst s1;
	(tag) =	ssettag s2;
	_ =	strace s9  }
0x27: {  	s1 =	sld [smem:$0x3FA5]  }
0x28: {  	s2 =	sld [smem:$0x3FA6]  }
0x29: {  	s4 =	sld [smem:$0x3FA8]  }
0x2a: {  	p0 =	seq.s32 s5, $0x0;
	s5 =	sld [smem:$0x3FA9]  }
0x2b: {  	s6 =	sld [smem:$0x3FAA]  }
0x2c: {  	s7 =	sld [smem:$0x3FAB]  }
0x2d: {  	s3 =	simm.s32 $0x108;
	s8 =	sld [smem:$0x3FAC]  }
0x2e: {  	s3 =	simm.s32 @!p0 $0x1082;
	s9 =	sld [smem:$0x3FAD]  }
0x2f: {  	lr =	sadd.s32 s0, s3;
	s0 =	sld [smem:$0x3FA4]  }
0x30: {  	s3 =	sld [smem:$0x3FA7]  }
0x31: {  	[smem:$0x3FB0] =	sst s10  }
0x32: {  	s10 =	sld [smem:$0x3FAE];
	_ =	sdelay $0x3  }
0x33: {  	p0 =	seq.s32 s10, $0x1;
	s10 =	sld [smem:$0x3FB0];
	_ =	sdelay $0x3  }
0x34: {  	[smem:$0x3FB0] =	sst s10  }
0x35: {  	s10 =	sld [smem:$0x3FAF];
	_ =	sdelay $0x3  }
0x36: {  	p1 =	seq.s32 s10, $0x1;
	s10 =	sld [smem:$0x3FB0];
	_ =	sdelay $0x3  }
0x37: {  	[smem:$0x3FB0] =	sst s10  }
0x38: {  	s10 =	sld [smem:$0x3FB1]  }
0x39: {  	_ = 	snop;
	(pc) =	sbr.ind lr, $3  }
0x3a: {  	_ = 	snop  }
0x3b: {  	_ = 	snop  }
0x3c: {  	p2 =	seq.s32 s10, $0x1;
	s10 =	sld [smem:$0x3FB0]  }
0x3d: {  	_ =	shalt  }
0x3e: {  	_ =	shalt  }
0x3f: {  	_ =	shalt  }
0x40: {  	_ =	shalt  }
0x41: {  	_ =	shalt  }
0x42: {  	_ =	shalt  }
0x43: {  	_ =	shalt  }
0x44: {  	_ =	shalt  }
0x45: {  	_ =	shalt  }
0x46: {  	_ =	shalt  }
0x47: {  	_ =	shalt  }
0x48: {  	_ =	shalt  }
0x49: {  	_ =	shalt  }
0x4a: {  	_ =	shalt  }
0x4b: {  	_ =	shalt  }
0x4c: {  	_ =	shalt  }
0x4d: {  	_ =	shalt  }
0x4e: {  	_ =	shalt  }
0x4f: {  	_ =	shalt  }
0x50: {  	_ =	shalt  }
0x51: {  	_ =	shalt  }
0x52: {  	_ =	shalt  }
0x53: {  	_ =	shalt  }
0x54: {  	_ =	shalt  }
0x55: {  	_ =	shalt  }
0x56: {  	_ =	shalt  }
0x57: {  	_ =	shalt  }
0x58: {  	_ =	shalt  }
0x59: {  	_ =	shalt  }
0x5a: {  	_ =	shalt  }
0x5b: {  	_ =	shalt  }
0x5c: {  	_ =	shalt  }
0x5d: {  	_ =	shalt  }
0x5e: {  	_ =	shalt  }
0x5f: {  	_ =	shalt  }
0x60: {  	_ =	shalt  }
0x61: {  	_ =	shalt  }
0x62: {  	_ =	shalt  }
0x63: {  	_ =	shalt  }
0x64: {  	_ =	shalt  }
0x65: {  	_ =	shalt  }
0x66: {  	_ =	shalt  }
0x67: {  	_ =	shalt  }
0x68: {  	_ =	shalt  }
0x69: {  	_ =	shalt  }
0x6a: {  	_ =	shalt  }
0x6b: {  	_ =	shalt  }
0x6c: {  	_ =	shalt  }
0x6d: {  	_ =	shalt  }
0x6e: {  	_ =	shalt  }
0x6f: {  	_ =	shalt  }
0x70: {  	_ =	shalt  }
0x71: {  	_ =	shalt  }
0x72: {  	_ =	shalt  }
0x73: {  	_ =	shalt  }
0x74: {  	_ =	shalt  }
0x75: {  	_ =	shalt  }
0x76: {  	_ =	shalt  }
0x77: {  	_ =	shalt  }
0x78: {  	_ =	shalt  }
0x79: {  	_ =	shalt  }
0x7a: {  	_ =	shalt  }
0x7b: {  	_ =	shalt  }
0x7c: {  	_ =	shalt  }
0x7d: {  	_ =	shalt  }
0x7e: {  	_ =	shalt  }
0x7f: {  	_ =	shalt  }
0x80: {  	_ =	shalt  }
0x81: {  	_ =	shalt  }
0x82: {  	_ =	shalt  }
0x83: {  	_ =	shalt  }
0x84: {  	_ =	shalt  }
0x85: {  	_ =	shalt  }
0x86: {  	_ =	shalt  }
0x87: {  	_ =	shalt  }
.Lfunc_end0:
.L_simem_size_0:
called_computation.2_lowered:
.L_overlay_start_0:
0x88: {  	s2 =	sld [smem:$0x3FD9]  }
0x89: {  	s3 =	sld [smem:$0x3FFE];
	_ =	sdelay $0x1  }
0x8a: {  	s1 =	srdreg.scid  }
0x8b: {  	s0 =	sand.u32 $0x1, s1  }
0x8c: {  	s16 =	sshll.u32 s0, $0xA;
	s2 =	sadd.s32 s3, s2  }
0x8d: {  	s2 =	sadd.s32 s2, s16  }
0x8e: {  	[smem:$0x3FBC] =	sst s2  }
0x8f: {  	_ = 	snop  }
0x90: {  	(tm) =	ssettm $0x1  }
0x91: {  	s17 =	sld [smem:$0x3FFB];
	_ =	sdelay $0x3  }
0x92: {  	_ =	strace s17  }
0x93: {  	s2 =	sld [smem:$0x3FFC];
	_ =	sdelay $0x3  }
0x94: {  	_ =	strace s2  }
0x95: {  	s2 =	sld [smem:$0x3FFD];
	_ =	sdelay $0x3  }
0x96: {  	_ =	strace s2  }
0x97: {  	_ =	strace $0x8FFFFFFF  }
0x98: {  	s18 =	sld [smem:$0x3FDB];
	_ =	sdelay $0x1  }
0x99: {  	s19 =	simm.s32 $_scs_section_size  }
0x9a: {  	s4 =	simm.s32 $_size__tile_overlayer_lowered;
	s5 =	simm.s32 $_tile_overlayer_lowered  }
0x9b: {  	s22 =	simm.s32 $0x1BFF;
	s21 =	sshll.u32 s5, $0x1;
	s2 =	sadd.s32 s19, s18  }
0x9c: {  	s6 =	simm.s32 $0x0;
	s20 =	sshll.u32 s4, $0x1;
	s4 =	sadd.s32 s21, s2  }
0x9d: {  	[timem:s6], [sflag:s22] =	dma.local [hbm:s4], s20  }
0x9e: {  	_ =	swait.ge [sflag:s22], s20  }
0x9f: {  	s3 =	ssub.s32 $0x0, s20;
	[sflag:s22] =	ssyncset.done $0x0  }
0xa0: {  	[sflag:s22] =	ssyncadd.s32 s3;
	_ =	sdelay $0x1  }
0xa1: {  	s23 =	simm.s32 $0x1B8B  }
0xa2: {  	_ =	swait.ge [sflag:s23], $0x1  }
0xa3: {  	[sflag:s23] =	ssyncset.done $0x0  }
0xa4: {  	s25 =	simm.s32 $0x1B8E;
	s24 =	sld [smem:$0x3FFE];
	[sflag:s23] =	ssyncadd.s32 $0xFFFFFFFF  }
0xa5: {  	s26 =	simm.s32 $execute0_lowered;
	[smem:$0x3FD2] =	sst s25  }
0xa6: {  	s4 =	sshll.u32 s26, $0x1;
	_ =	strace $0x8000004C;
	[dreg:$0x1] =	wrdreg $0xFFFFFFFF  }
0xa7: {  	s28 =	simm.s32 $_size_execute0_lowered;
	s2 =	sadd.s32 s2, s4;
	[dreg:$0x0] =	wrdreg $0x0  }
0xa8: {  	s4 =	sshll.u32 s28, $0x1;
	[dreg:$0x2] =	wrdreg s2  }
0xa9: {  	[dreg:$0x3] =	wrdreg s4  }
0xaa: {  	[dreg:$0x4] =	wrdreg $0xC0  }
0xab: {  	_ =	task [dreg:s6], $0x5FFFF  }
0xac: {  	[dreg:$0x1] =	wrdreg $0xFFFFFFFF  }
0xad: {  	[dreg:$0x0] =	wrdreg $0x60  }
0xae: {  	[dreg:$0x2] =	wrdreg s24  }
0xaf: {  	[dreg:$0x3] =	wrdreg $0x0  }
0xb0: {  	[dreg:$0x4] =	wrdreg $0x9  }
0xb1: {  	_ =	task.clear_ibuf [dreg:s6], $0x5FFFF;
	_ =	strace $0x9000004C  }
0xb2: {  	s29 =	simm.s32 $0x9;
	_ =	strace $0x8000004E  }
0xb3: {  	_ =	swait.ge [sflag:s29], $0x1  }
0xb4: {  	[sflag:s29] =	ssyncadd.s32 $0xFFFFFFFF  }
0xb5: {  	_ =	strace $0x9000004E  }
0xb6: {  	_ =	sfence  }
0xb7: {  	s30 =	sld [smem:$0x0];
	_ =	sdelay $0x2  }
0xb8: {  	s31 =	sshll.u32 s1, $0xD;
	s1 =	sshrl.u32 s1, $0x2  }
0xb9: {  	s3 =	sand.u32 $0x4000, s31;
	s1 =	sadd.s32 s1, s30  }
0xba: {  	s0 =	sor.u32 s3, s0;
	s1 =	sshll.u32 s1, $0x11  }
0xbb: {  	s0 =	sor.u32 s1, s0  }
0xbc: {  	s0 =	sadd.s32 $0x8F2B, s0  }
0xbd: {  	[sflag:s0] =	ssyncadd.remote.s32 $0x1  }
0xbe: {  	_ =	sfence.sel $0xFFFF  }
0xbf: {  	[dreg:$0x0] =	wrdreg $0xFFFFFFFF;
	(pc) =	sbr.abs _section_cstart, $3  }
0xc0: {  	[dreg:$0x1] =	wrdreg $0xFFFFFFFF  }
0xc1: {  	_ =	task.clear_ibuf [dreg:s6], $0x2FFFF;
	_ =	strace $0x9FFFFFFF  }
0xc2: {  	(tm) =	ssettm $0x7FFFFFFF  }
0xc3: {  	_ =	shalt  }
tec
execute0_lowered:
.L_overlay_start_1:
0x0: {  	(tag) =	ssettag $0x1  }
0x1: {  	s0 =	rddreg [dreg:$0x0];
	s17 =	stileid.u32  }
0x2: {  	s1 =	srdreg.scid;
	s2 =	rddreg [dreg:$0x1];
	s28 =	simm.s32 $0x1  }
0x3: {  	s29 =	simm.s32 $0x14000;
	s30 =	simm.s32 $0x14080;
	s4 =	smul.u32 $0x2800, s17  }
0x4: {  	s31 =	simm.s32 $0x50;
	s1 =	sand.u32 $0x1, s1;
	s6 =	smul.u32 $0x14000, s17  }
0x5: {  	s3 =	sadd.s32 $0x3600, s0;
	s11 =	sadd.s32 $0x71C00, s0;
	s5 =	ssub.s32 $0x2, s1  }
0x6: {  	s10 =	smul.u32 $0x140000, s1;
	s7 =	sshrl.u32 s5, $0x1;
	s21 =	sadd.s32 $0x5000, s6  }
0x7: {  	s22 =	sadd.s32 $0x7800, s6;
	s23 =	sadd.s32 $0xA000, s6;
	s24 =	sadd.s32 $0xC800, s6  }
0x8: {  	s5 =	ssub.s32 s5, s7;
	s7 =	sor.u32 $0x2800, s6;
	s8 =	sadd.s32 s10, s6  }
0x9: {  	s12 =	sadd.s32 s10, s21;
	s20 =	sadd.s32 s10, s22;
	s25 =	sadd.s32 s10, s23  }
0xa: {  	s26 =	sadd.s32 s10, s24;
	s21 =	sadd.s32 s21, s2;
	s22 =	sadd.s32 s22, s2  }
0xb: {  	s23 =	sadd.s32 s23, s2;
	s24 =	sadd.s32 s24, s2;
	s9 =	sadd.s32 s10, s7  }
0xc: {  	s8 =	sshrl.u32 s8, $0x3;
	s19 =	sshrl.u32 s12, $0x3;
	s14 =	sshrl.u32 s26, $0x3  }
0xd: {  	s26 =	sshll.u32 s17, $0x6;
	s9 =	sshrl.u32 s9, $0x3;
	s8 =	sadd.s32 s11, s8  }
0xe: {  	s15 =	sadd.s32 s11, s14;
	[dreg:$0x3] =	wrdreg s8;
	s18 =	sadd.s32 s11, s9  }
0xf: {  	s8 =	sadd.s32 s11, s19;
	s9 =	sshrl.u32 s25, $0x3;
	[dreg:$0x8] =	wrdreg s15  }
0x10: {  	s25 =	sadd.s32 $0xF000, s6;
	s6 =	sadd.s32 $0x11800, s6;
	s15 =	smul.u32 $0x7D0, s1  }
0x11: {  	s1 =	smul.u32 $0x3E80, s1;
	s19 =	sadd.s32 s4, s0;
	[dreg:$0x4] =	wrdreg s18  }
0x12: {  	s4 =	simm.s32 $0x0;
	[dreg:$0x5] =	wrdreg s8;
	s8 =	sshrl.u32 s20, $0x3  }
0x13: {  	s13 =	sadd.s32 s11, s9;
	s16 =	sadd.s32 s10, s25;
	s10 =	sadd.s32 s10, s6  }
0x14: {  	s18 =	smul.u32 $0x7D00, s17;
	s25 =	sadd.s32 s25, s2;
	s8 =	sadd.s32 s11, s8  }
0x15: {  	[dreg:$0x7] =	wrdreg s13;
	s13 =	smul.u32 $0xFA0, s17;
	s12 =	sshrl.u32 s16, $0x3  }
0x16: {  	s14 =	sshrl.u32 s10, $0x3;
	s16 =	smul.u32 $0x50000, s17;
	s17 =	sadd.s32 $0x49C00, s19  }
0x17: {  	s19 =	smax.u32 s5, $0x1;
	[dreg:$0x6] =	wrdreg s8;
	s10 =	sadd.s32 s11, s12  }
0x18: {  	s11 =	sadd.s32 s11, s14;
	s12 =	simm.s32 $0x0;
	s14 =	sadd.s32 s1, s18  }
0x19: {  	s18 =	sor.u32 $0x1C01, s26;
	s26 =	sadd.s32 s6, s2;
	s1 =	simm.s32 $0x14100  }
0x1a: {  	s13 =	sadd.s32 s13, s3;
	[smem:$0x7FF] =	sst s12;
	s20 =	sshrl.u32 s16, $0x2  }
0x1b: {  	s13 =	sadd.s32 s15, s13;
	_ =	strace $0x8000004D;
	s15 =	sadd.s32 $0x22A00, s0  }
0x1c: {  	s16 =	sadd.s32 s20, s2;
	s20 =	sadd.s32 s7, s2;
	s0 =	simm.s32 $0x16900  }
.LBB2_1:
0x1d: {  	s5 =	sshrl.u32 s16, $0x3  }
0x1e: {  	[spmem:s5], [sflag:s18] =	dma.local [hbm:s17], $0x2800  }
0x1f: {  	_ =	swait.ge [sflag:s28], $0x2800  }
0x20: {  	[sflag:s28] =	ssyncset.done $0x0  }
0x21: {  	[sflag:s28] =	ssyncadd.s32 $0xFFFFD800  }
0x22: {  	s8 =	sadd.s32 $0x0, s13;
	s6 =	sand.u32 $0x7FFFFF80, s14;
	[bflag:$0x0] =	sbarrier.arrive $0xFFFF  }
0x23: {  	[tilespmem:s29], [sflag:$0x1] =	stream.linear.gather [hbm4b:s8+s12], $0x80, $0x38;
	[tilespmem:$0x19100] =	vst v63  }
0x24: {  	s9 =	sadd.s32 $0x7D000, s6;
	_ =	swait.ge [sflag:s28], $0x80  }
0x25: {  	s5 =	sshrl.u32 s9, $0x3;
	[sflag:s28] =	ssyncset.done $0x0  }
0x26: {  	s5 =	sadd.s32 s3, s5;
	[sflag:s28] =	ssyncadd.s32 $0xFFFFFF80  }
0x27: {  	[tilespmem:s30], [sflag:$0x1] =	stream.linear.gather [hbm4b:s5+s12], $0x80, $0x38;
	[tilespmem:$0x19100] =	vst v63  }
0x28: {  	_ =	swait.ge [sflag:s28], $0x80  }
0x29: {  	[sflag:s28] =	ssyncset.done $0x0  }
0x2a: {  	[sflag:s28] =	ssyncadd.s32 $0xFFFFFF80  }
0x2b: {  	[tilespmem:s1], [sflag:$0x1] =	stream.indirect.gather [hbm4b:s15+s31], $0x80, s29, s31, $0xb8;
	[tilespmem:$0x19100] =	vst v63  }
0x2c: {  	_ =	swait.ge [sflag:s28], $0x2800  }
0x2d: {  	[sflag:s28] =	ssyncset.done $0x0  }
0x2e: {  	[sflag:s28] =	ssyncadd.s32 $0xFFFFD800  }
0x2f: {  	[spmem:s2] =	stream.indirect.scatter.add.f32 [tilespmem:s1], [sflag:$0x1], $0x80, s30, s31, $0xb8;
	[tilespmem:$0x19100] =	vst v63  }
0x30: {  	s7 =	simm.s32 $0x20;
	_ =	swait.ge [sflag:s28], $0x2800  }
0x31: {  	s6 =	simm.s32 $0x10;
	s5 =	sadd.s32 $0x80, s14;
	[sflag:s28] =	ssyncset.done $0x0  }
.LBB2_2:
0x32: {  	s8 =	sadd.s32 s6, s13  }
0x33: {  	s9 =	sand.u32 $0x7FFFFF80, s5;
	[sflag:s28] =	ssyncadd.s32 $0xFFFFD800;
	s6 =	smov.u32 s7  }
0x34: {  	[tilespmem:s29], [sflag:$0x1] =	stream.linear.gather [hbm4b:s8+s12], $0x80, $0x38;
	[tilespmem:$0x19100] =	vst v63  }
0x35: {  	s8 =	sadd.s32 $0x10, s7;
	s9 =	sadd.s32 $0x7D000, s9;
	_ =	swait.ge [sflag:s28], $0x80  }
0x36: {  	p0 =	sne.s32 s7, $0x7C0;
	s7 =	sshrl.u32 s9, $0x3;
	[sflag:s28] =	ssyncset.done $0x0  }
0x37: {  	s7 =	sadd.s32 s3, s7;
	[sflag:s28] =	ssyncadd.s32 $0xFFFFFF80  }
0x38: {  	[tilespmem:s30], [sflag:$0x1] =	stream.linear.gather [hbm4b:s7+s12], $0x80, $0x38;
	[tilespmem:$0x19100] =	vst v63  }
0x39: {  	_ =	swait.ge [sflag:s28], $0x80  }
0x3a: {  	[sflag:s28] =	ssyncset.done $0x0  }
0x3b: {  	[sflag:s28] =	ssyncadd.s32 $0xFFFFFF80  }
0x3c: {  	[tilespmem:s1], [sflag:$0x1] =	stream.indirect.gather [hbm4b:s15+s31], $0x80, s29, s31, $0xb8;
	[tilespmem:$0x19100] =	vst v63  }
0x3d: {  	_ =	swait.ge [sflag:s28], $0x2800  }
.Ltmp0:
0x3e: {  	[sflag:s28] =	ssyncset.done $0x0;
	(pc) =	sbr.rel @p0 .LBB2_2-.Ltmp0, $4  }
0x3f: {  	[sflag:s28] =	ssyncadd.s32 $0xFFFFD800  }
0x40: {  	[spmem:s2] =	stream.indirect.scatter.add.f32 [tilespmem:s1], [sflag:$0x1], $0x80, s30, s31, $0xb8;
	[tilespmem:$0x19100] =	vst v63  }
0x41: {  	_ =	swait.ge [sflag:s28], $0x2800  }
0x42: {  	s5 =	sadd.s32 $0x80, s5;
	s7 =	smov.u32 s8;
	[sflag:s28] =	ssyncset.done $0x0  }
0x43: {  	s6 =	sadd.s32 s6, s13;
	[sflag:s28] =	ssyncadd.s32 $0xFFFFD800;
	s5 =	sand.u32 $0x7FFFFF80, s5  }
0x44: {  	[tilespmem:s29], [sflag:$0x1] =	stream.linear.gather [hbm4b:s6+s12], $0x80, $0x38;
	[tilespmem:$0x19100] =	vst v63  }
0x45: {  	s5 =	sadd.s32 $0x7D000, s5;
	_ =	swait.ge [sflag:s28], $0x80  }
0x46: {  	s5 =	sshrl.u32 s5, $0x3;
	[sflag:s28] =	ssyncset.done $0x0  }
0x47: {  	s5 =	sadd.s32 s3, s5;
	[sflag:s28] =	ssyncadd.s32 $0xFFFFFF80  }
0x48: {  	[tilespmem:s30], [sflag:$0x1] =	stream.linear.gather [hbm4b:s5+s12], $0x80, $0x38;
	[tilespmem:$0x19100] =	vst v63  }
0x49: {  	_ =	swait.ge [sflag:s28], $0x80  }
0x4a: {  	[sflag:s28] =	ssyncset.done $0x0  }
0x4b: {  	[sflag:s28] =	ssyncadd.s32 $0xFFFFFF80  }
0x4c: {  	[tilespmem:s1], [sflag:$0x1] =	stream.indirect.gather [hbm4b:s15+s31], $0x80, s29, s31, $0xb8;
	[tilespmem:$0x19100] =	vst v63  }
0x4d: {  	_ =	swait.ge [sflag:s28], $0x2800  }
0x4e: {  	[sflag:s28] =	ssyncset.done $0x0  }
0x4f: {  	[sflag:s28] =	ssyncadd.s32 $0xFFFFD800  }
0x50: {  	[spmem:s2] =	stream.indirect.scatter.add.f32 [tilespmem:s1], [sflag:$0x1], $0x80, s30, s31, $0xb8;
	[tilespmem:$0x19100] =	vst v63  }
0x51: {  	_ =	swait.ge [sflag:s28], $0x2800  }
0x52: {  	[sflag:s28] =	ssyncset.done $0x0  }
0x53: {  	[sflag:s28] =	ssyncadd.s32 $0xFFFFD800  }
0x54: {  	[bflag:$0x0] =	sbarrier.arrive $0xFFFF  }
0x55: {  	[tilespmem:s0], [sflag:$0x1] =	stream.linear.gather [spmem:s16], $0x2800, $0x38;
	[tilespmem:$0x19100] =	vst v63  }
0x56: {  	_ =	swait.ge [sflag:s28], $0x2800  }
0x57: {  	[sflag:s28] =	ssyncset.done $0x0  }
0x58: {  	s8 =	rddreg [dreg:$0x3];
	[sflag:s28] =	ssyncadd.s32 $0xFFFFD800  }
0x59: {  	[hbm4b:s8+s12] =	stream.linear.scatter [tilespmem:s0], [sflag:$0x1], $0x2800, $0x38;
	[tilespmem:$0x19100] =	vst v63  }
0x5a: {  	_ =	swait.ge [sflag:s28], $0x2800  }
0x5b: {  	[sflag:s28] =	ssyncset.done $0x0  }
0x5c: {  	[sflag:s28] =	ssyncadd.s32 $0xFFFFD800  }
0x5d: {  	[tilespmem:s0], [sflag:$0x1] =	stream.linear.gather [spmem:s20], $0x2800, $0x38;
	[tilespmem:$0x19100] =	vst v63  }
0x5e: {  	_ =	swait.ge [sflag:s28], $0x2800  }
0x5f: {  	[sflag:s28] =	ssyncset.done $0x0  }
0x60: {  	s9 =	rddreg [dreg:$0x4];
	[sflag:s28] =	ssyncadd.s32 $0xFFFFD800  }
0x61: {  	[hbm4b:s9+s12] =	stream.linear.scatter [tilespmem:s0], [sflag:$0x1], $0x2800, $0x38;
	[tilespmem:$0x19100] =	vst v63  }
0x62: {  	_ =	swait.ge [sflag:s28], $0x2800  }
0x63: {  	[sflag:s28] =	ssyncset.done $0x0  }
0x64: {  	[sflag:s28] =	ssyncadd.s32 $0xFFFFD800  }
0x65: {  	[tilespmem:s0], [sflag:$0x1] =	stream.linear.gather [spmem:s21], $0x2800, $0x38;
	[tilespmem:$0x19100] =	vst v63  }
0x66: {  	_ =	swait.ge [sflag:s28], $0x2800  }
0x67: {  	[sflag:s28] =	ssyncset.done $0x0  }
0x68: {  	s6 =	rddreg [dreg:$0x5];
	[sflag:s28] =	ssyncadd.s32 $0xFFFFD800  }
0x69: {  	[hbm4b:s6+s12] =	stream.linear.scatter [tilespmem:s0], [sflag:$0x1], $0x2800, $0x38;
	[tilespmem:$0x19100] =	vst v63  }
0x6a: {  	_ =	swait.ge [sflag:s28], $0x2800  }
0x6b: {  	[sflag:s28] =	ssyncset.done $0x0  }
0x6c: {  	[sflag:s28] =	ssyncadd.s32 $0xFFFFD800  }
0x6d: {  	[tilespmem:s0], [sflag:$0x1] =	stream.linear.gather [spmem:s22], $0x2800, $0x38;
	[tilespmem:$0x19100] =	vst v63  }
0x6e: {  	_ =	swait.ge [sflag:s28], $0x2800  }
0x6f: {  	[sflag:s28] =	ssyncset.done $0x0  }
0x70: {  	s7 =	rddreg [dreg:$0x6];
	[sflag:s28] =	ssyncadd.s32 $0xFFFFD800  }
0x71: {  	[hbm4b:s7+s12] =	stream.linear.scatter [tilespmem:s0], [sflag:$0x1], $0x2800, $0x38;
	[tilespmem:$0x19100] =	vst v63  }
0x72: {  	_ =	swait.ge [sflag:s28], $0x2800  }
0x73: {  	[sflag:s28] =	ssyncset.done $0x0  }
0x74: {  	[sflag:s28] =	ssyncadd.s32 $0xFFFFD800  }
0x75: {  	[tilespmem:s0], [sflag:$0x1] =	stream.linear.gather [spmem:s23], $0x2800, $0x38;
	[tilespmem:$0x19100] =	vst v63  }
0x76: {  	_ =	swait.ge [sflag:s28], $0x2800  }
0x77: {  	[sflag:s28] =	ssyncset.done $0x0  }
0x78: {  	s8 =	rddreg [dreg:$0x7];
	[sflag:s28] =	ssyncadd.s32 $0xFFFFD800  }
0x79: {  	[hbm4b:s8+s12] =	stream.linear.scatter [tilespmem:s0], [sflag:$0x1], $0x2800, $0x38;
	[tilespmem:$0x19100] =	vst v63  }
0x7a: {  	_ =	swait.ge [sflag:s28], $0x2800  }
0x7b: {  	[sflag:s28] =	ssyncset.done $0x0  }
0x7c: {  	[sflag:s28] =	ssyncadd.s32 $0xFFFFD800  }
0x7d: {  	[tilespmem:s0], [sflag:$0x1] =	stream.linear.gather [spmem:s24], $0x2800, $0x38;
	[tilespmem:$0x19100] =	vst v63  }
0x7e: {  	_ =	swait.ge [sflag:s28], $0x2800  }
0x7f: {  	[sflag:s28] =	ssyncset.done $0x0  }
0x80: {  	s9 =	rddreg [dreg:$0x8];
	[sflag:s28] =	ssyncadd.s32 $0xFFFFD800  }
0x81: {  	[hbm4b:s9+s12] =	stream.linear.scatter [tilespmem:s0], [sflag:$0x1], $0x2800, $0x38;
	[tilespmem:$0x19100] =	vst v63  }
0x82: {  	_ =	swait.ge [sflag:s28], $0x2800  }
0x83: {  	[sflag:s28] =	ssyncset.done $0x0  }
0x84: {  	[sflag:s28] =	ssyncadd.s32 $0xFFFFD800  }
0x85: {  	[tilespmem:s0], [sflag:$0x1] =	stream.linear.gather [spmem:s25], $0x2800, $0x38;
	[tilespmem:$0x19100] =	vst v63  }
0x86: {  	_ =	swait.ge [sflag:s28], $0x2800  }
0x87: {  	[sflag:s28] =	ssyncset.done $0x0  }
0x88: {  	[sflag:s28] =	ssyncadd.s32 $0xFFFFD800  }
0x89: {  	[hbm4b:s10+s12] =	stream.linear.scatter [tilespmem:s0], [sflag:$0x1], $0x2800, $0x38;
	[tilespmem:$0x19100] =	vst v63  }
0x8a: {  	_ =	swait.ge [sflag:s28], $0x2800  }
0x8b: {  	[sflag:s28] =	ssyncset.done $0x0  }
0x8c: {  	[sflag:s28] =	ssyncadd.s32 $0xFFFFD800  }
0x8d: {  	[tilespmem:s0], [sflag:$0x1] =	stream.linear.gather [spmem:s26], $0x2800, $0x38;
	[tilespmem:$0x19100] =	vst v63  }
0x8e: {  	s4 =	sadd.s32 $0x1, s4;
	_ =	swait.ge [sflag:s28], $0x2800  }
0x8f: {  	p0 =	sne.s32 s4, s19;
	[sflag:s28] =	ssyncset.done $0x0  }
.Ltmp1:
0x90: {  	[sflag:s28] =	ssyncadd.s32 $0xFFFFD800;
	(pc) =	sbr.rel @p0 .LBB2_1-.Ltmp1, $4  }
0x91: {  	[hbm4b:s11+s12] =	stream.linear.scatter [tilespmem:s0], [sflag:$0x1], $0x2800, $0x38;
	[tilespmem:$0x19100] =	vst v63  }
0x92: {  	_ =	swait.ge [sflag:s28], $0x2800  }
0x93: {  	[sflag:s28] =	ssyncset.done $0x0  }
0x94: {  	[sflag:s28] =	ssyncadd.s32 $0xFFFFD800  }
0x95: {  	_ =	sfence.sel $0x180000  }
0x96: {  	[bflag:$0x0] =	sbarrier.arrive $0xFFFF  }
0x97: {  	_ =	strace $0x9000004D  }
0x98: {  	s0 =	stileid.u32;
	[bflag:$0x2] =	sbarrier.arrive $0xFFFF  }
0x99: {  	p0 =	sne.s32 s0, $0x0;
	s0 =	rddreg [dreg:$0x2]  }
0x9a: {  	s0 =	sadd.s32 @!p0 $0x100000, s0  }
0x9b: {  	[sflag:s0] =	ssyncadd.tile.s32 @!p0 $0x1;
	_ =	shalt  }
.Lfunc_end2:
_tile_overlayer_lowered:
.L_overlay_start_2:
0x9c: {  	(tag) =	ssettag $0x2  }
0x9d: {  	s0 =	rddreg [dreg:$0x0];
	s2 =	stileid.u32  }
0x9e: {  	s1 =	rddreg [dreg:$0x1];
	p0 =	sne.s32 s2, $0x0  }
0x9f: {  	s3 =	rddreg [dreg:$0x2];
	[bflag:$0x3] =	sbarrier.arrive $0xFFFF;
	s2 =	simm.s32 @!p0 $0x1C01  }
0xa0: {  	[timem:s3], [sflag:s2] =	dma.local @!p0 [hbm:s0], s1  }
0xa1: {  	s0 =	simm.s32 @!p0 $0x1  }
0xa2: {  	_ =	swait.ge @!p0 [sflag:s0], s1  }
0xa3: {  	s1 =	ssub.s32 @!p0 $0x0, s1;
	[sflag:s0] =	ssyncset.done @!p0 $0x0  }
0xa4: {  	[sflag:s0] =	ssyncadd.s32 @!p0 s1  }
0xa5: {  	[bflag:$0x3] =	sbarrier.arrive $0xFFFF  }
0xa6: {  	_ =	shalt  }

// kernel: kernel.19.cloned.1.call-start
scs
__scs_entry_jumppad:
0x0: {  	(pc) =	sbr.rel $0x88, $3  }
0x1: {  	(tag) =	ssettag $0x0;
	lr =	simm.s32 $0x1  }
0x2: {  	[smem:$0x3F95] =	sst lr;
	_ =	strace $0xD0000000  }
0x3: {  	_ = 	snop  }
0x4: {  	_ = 	snop  }
0x5: {  	_ = 	snop  }
0x6: {  	_ = 	snop  }
0x7: {  	_ = 	snop  }
__scs_overlays_trampoline_lowered:
0x8: {  	[smem:$0x3FA4] =	sst s0  }
0x9: {  	[smem:$0x3FA5] =	sst s1  }
0xa: {  	[smem:$0x3FA6] =	sst s2  }
0xb: {  	[smem:$0x3FA7] =	sst s3  }
0xc: {  	[smem:$0x3FA8] =	sst s4  }
0xd: {  	[smem:$0x3FA9] =	sst s5  }
0xe: {  	[smem:$0x3FAA] =	sst s6  }
0xf: {  	[smem:$0x3FAB] =	sst s7  }
0x10: {  	[smem:$0x3FAC] =	sst s8  }
0x11: {  	[smem:$0x3FAD] =	sst s9;
	s0 =	simm.s32 @!p0 $0x0  }
0x12: {  	s1 =	sld [smem:$0x3F93];
	s0 =	simm.s32 @p0 $0x1  }
0x13: {  	[smem:$0x3FAE] =	sst s0;
	s0 =	simm.s32 @!p1 $0x0  }
0x14: {  	s2 =	sld [smem:$0x3F92];
	s0 =	simm.s32 @p1 $0x1  }
0x15: {  	[smem:$0x3FAF] =	sst s0;
	s0 =	simm.s32 @!p2 $0x0  }
0x16: {  	s3 =	sld [smem:$0x3FDB];
	s0 =	simm.s32 @p2 $0x1  }
0x17: {  	s4 =	simm.s32 $0x1BF5;
	[smem:$0x3FB1] =	sst s0  }
0x18: {  	s0 =	sld [smem:$0x3F94];
	_ =	swait.ge [sflag:s4], $0x0  }
0x19: {  	s7 =	sld [smem:$0x3F95]  }
0x1a: {  	s8 =	sadd.s32 $0xFFFFE003, lr  }
0x1b: {  	s9 =	sadd.s32 $0xFFFFFEF7, lr;
	s5 =	simm.s32 $0xFFFFFFFF;
	p2 =	slt.u32 s8, $0xFFFFF086  }
0x1c: {  	p1 =	slt.u32 s9, $0xF7A;
	s5 =	simm.s32 @!p2 $0x0  }
0x1d: {  	s5 =	simm.s32 @p1 $0x1;
	p0 =	seq.s32 s7, s2  }
0x1e: {  	s7 =	smul.u32 @!p0 $0xF7A, s2;
	p2 =	seq.s32 @!p0 s5, $0x0  }
0x1f: {  	s9 =	smul.u32 $0xF7A, s1;
	s8 =	simm.s32 @!p0 $0x1BF5;
	p2 =	por !p2, p0  }
0x20: {  	[sflag:s8] =	ssyncset.s32 @!p0 $0xFFFFF086;
	s6 =	sadd.s32 @!p0 s3, s7;
	s7 =	simm.s32 @!p0 $0x108  }
0x21: {  	s3 =	sadd.s32 s3, s9;
	s6 =	sadd.s32 @!p0 $0x88, s6;
	s7 =	simm.s32 @p2 $0x1082  }
0x22: {  	[simem:s7], [sflag:s8] =	dma.local @!p0 [hbm:s6], $0xF7A  }
0x23: {  	s9 =	sor.u32 $0xD0000000, s2;
	s6 =	simm.s32 $0x108;
	_ =	swait.ge @!p0 [sflag:s8], $0x0  }
0x24: {  	s3 =	sadd.s32 $0x88, s3;
	s6 =	simm.s32 @!p1 $0x1082;
	[sflag:s4] =	ssyncset.s32 $0xFFFFF086  }
0x25: {  	[simem:s6], [sflag:s4] =	dma.local [hbm:s3], $0xF7A  }
0x26: {  	[smem:$0x3F95] =	sst s1;
	(tag) =	ssettag s2;
	_ =	strace s9  }
0x27: {  	s1 =	sld [smem:$0x3FA5]  }
0x28: {  	s2 =	sld [smem:$0x3FA6]  }
0x29: {  	s4 =	sld [smem:$0x3FA8]  }
0x2a: {  	p0 =	seq.s32 s5, $0x0;
	s5 =	sld [smem:$0x3FA9]  }
0x2b: {  	s6 =	sld [smem:$0x3FAA]  }
0x2c: {  	s7 =	sld [smem:$0x3FAB]  }
0x2d: {  	s3 =	simm.s32 $0x108;
	s8 =	sld [smem:$0x3FAC]  }
0x2e: {  	s3 =	simm.s32 @!p0 $0x1082;
	s9 =	sld [smem:$0x3FAD]  }
0x2f: {  	lr =	sadd.s32 s0, s3;
	s0 =	sld [smem:$0x3FA4]  }
0x30: {  	s3 =	sld [smem:$0x3FA7]  }
0x31: {  	[smem:$0x3FB0] =	sst s10  }
0x32: {  	s10 =	sld [smem:$0x3FAE];
	_ =	sdelay $0x3  }
0x33: {  	p0 =	seq.s32 s10, $0x1;
	s10 =	sld [smem:$0x3FB0];
	_ =	sdelay $0x3  }
0x34: {  	[smem:$0x3FB0] =	sst s10  }
0x35: {  	s10 =	sld [smem:$0x3FAF];
	_ =	sdelay $0x3  }
0x36: {  	p1 =	seq.s32 s10, $0x1;
	s10 =	sld [smem:$0x3FB0];
	_ =	sdelay $0x3  }
0x37: {  	[smem:$0x3FB0] =	sst s10  }
0x38: {  	s10 =	sld [smem:$0x3FB1]  }
0x39: {  	_ = 	snop;
	(pc) =	sbr.ind lr, $3  }
0x3a: {  	_ = 	snop  }
0x3b: {  	_ = 	snop  }
0x3c: {  	p2 =	seq.s32 s10, $0x1;
	s10 =	sld [smem:$0x3FB0]  }
0x3d: {  	_ =	shalt  }
0x3e: {  	_ =	shalt  }
0x3f: {  	_ =	shalt  }
0x40: {  	_ =	shalt  }
0x41: {  	_ =	shalt  }
0x42: {  	_ =	shalt  }
0x43: {  	_ =	shalt  }
0x44: {  	_ =	shalt  }
0x45: {  	_ =	shalt  }
0x46: {  	_ =	shalt  }
0x47: {  	_ =	shalt  }
0x48: {  	_ =	shalt  }
0x49: {  	_ =	shalt  }
0x4a: {  	_ =	shalt  }
0x4b: {  	_ =	shalt  }
0x4c: {  	_ =	shalt  }
0x4d: {  	_ =	shalt  }
0x4e: {  	_ =	shalt  }
0x4f: {  	_ =	shalt  }
0x50: {  	_ =	shalt  }
0x51: {  	_ =	shalt  }
0x52: {  	_ =	shalt  }
0x53: {  	_ =	shalt  }
0x54: {  	_ =	shalt  }
0x55: {  	_ =	shalt  }
0x56: {  	_ =	shalt  }
0x57: {  	_ =	shalt  }
0x58: {  	_ =	shalt  }
0x59: {  	_ =	shalt  }
0x5a: {  	_ =	shalt  }
0x5b: {  	_ =	shalt  }
0x5c: {  	_ =	shalt  }
0x5d: {  	_ =	shalt  }
0x5e: {  	_ =	shalt  }
0x5f: {  	_ =	shalt  }
0x60: {  	_ =	shalt  }
0x61: {  	_ =	shalt  }
0x62: {  	_ =	shalt  }
0x63: {  	_ =	shalt  }
0x64: {  	_ =	shalt  }
0x65: {  	_ =	shalt  }
0x66: {  	_ =	shalt  }
0x67: {  	_ =	shalt  }
0x68: {  	_ =	shalt  }
0x69: {  	_ =	shalt  }
0x6a: {  	_ =	shalt  }
0x6b: {  	_ =	shalt  }
0x6c: {  	_ =	shalt  }
0x6d: {  	_ =	shalt  }
0x6e: {  	_ =	shalt  }
0x6f: {  	_ =	shalt  }
0x70: {  	_ =	shalt  }
0x71: {  	_ =	shalt  }
0x72: {  	_ =	shalt  }
0x73: {  	_ =	shalt  }
0x74: {  	_ =	shalt  }
0x75: {  	_ =	shalt  }
0x76: {  	_ =	shalt  }
0x77: {  	_ =	shalt  }
0x78: {  	_ =	shalt  }
0x79: {  	_ =	shalt  }
0x7a: {  	_ =	shalt  }
0x7b: {  	_ =	shalt  }
0x7c: {  	_ =	shalt  }
0x7d: {  	_ =	shalt  }
0x7e: {  	_ =	shalt  }
0x7f: {  	_ =	shalt  }
0x80: {  	_ =	shalt  }
0x81: {  	_ =	shalt  }
0x82: {  	_ =	shalt  }
0x83: {  	_ =	shalt  }
0x84: {  	_ =	shalt  }
0x85: {  	_ =	shalt  }
0x86: {  	_ =	shalt  }
0x87: {  	_ =	shalt  }
.Lfunc_end0:
.L_simem_size_0:
called_computation.3_lowered:
.L_overlay_start_0:
0x88: {  	s2 =	sld [smem:$0x3FD9]  }
0x89: {  	s3 =	sld [smem:$0x3FFE];
	_ =	sdelay $0x1  }
0x8a: {  	s1 =	srdreg.scid  }
0x8b: {  	s0 =	sand.u32 $0x1, s1  }
0x8c: {  	s16 =	sshll.u32 s0, $0xA;
	s2 =	sadd.s32 s3, s2  }
0x8d: {  	s2 =	sadd.s32 s2, s16  }
0x8e: {  	[smem:$0x3FBC] =	sst s2  }
0x8f: {  	_ = 	snop  }
0x90: {  	(tm) =	ssettm $0x1  }
0x91: {  	s17 =	sld [smem:$0x3FFB];
	_ =	sdelay $0x3  }
0x92: {  	_ =	strace s17  }
0x93: {  	s2 =	sld [smem:$0x3FFC];
	_ =	sdelay $0x3  }
0x94: {  	_ =	strace s2  }
0x95: {  	s2 =	sld [smem:$0x3FFD];
	_ =	sdelay $0x3  }
0x96: {  	_ =	strace s2  }
0x97: {  	_ =	strace $0x8FFFFFFF  }
0x98: {  	s18 =	sld [smem:$0x3FDB];
	_ =	sdelay $0x1  }
0x99: {  	s19 =	simm.s32 $_scs_section_size  }
0x9a: {  	s4 =	simm.s32 $_size__tile_overlayer_lowered;
	s5 =	simm.s32 $_tile_overlayer_lowered  }
0x9b: {  	s22 =	simm.s32 $0x1BFF;
	s21 =	sshll.u32 s5, $0x1;
	s2 =	sadd.s32 s19, s18  }
0x9c: {  	s6 =	simm.s32 $0x0;
	s20 =	sshll.u32 s4, $0x1;
	s4 =	sadd.s32 s21, s2  }
0x9d: {  	[timem:s6], [sflag:s22] =	dma.local [hbm:s4], s20  }
0x9e: {  	_ =	swait.ge [sflag:s22], s20  }
0x9f: {  	s3 =	ssub.s32 $0x0, s20;
	[sflag:s22] =	ssyncset.done $0x0  }
0xa0: {  	[sflag:s22] =	ssyncadd.s32 s3;
	_ =	sdelay $0x1  }
0xa1: {  	s23 =	simm.s32 $0x1B8B  }
0xa2: {  	_ =	swait.ge [sflag:s23], $0x1  }
0xa3: {  	[sflag:s23] =	ssyncset.done $0x0  }
0xa4: {  	s25 =	simm.s32 $0x1B8E;
	s24 =	sld [smem:$0x3FFE];
	[sflag:s23] =	ssyncadd.s32 $0xFFFFFFFF  }
0xa5: {  	s26 =	simm.s32 $execute0_lowered;
	[smem:$0x3FD2] =	sst s25  }
0xa6: {  	s4 =	sshll.u32 s26, $0x1;
	_ =	strace $0x8000004F;
	[dreg:$0x1] =	wrdreg $0xFFFFFFFF  }
0xa7: {  	s28 =	simm.s32 $_size_execute0_lowered;
	s2 =	sadd.s32 s2, s4;
	[dreg:$0x0] =	wrdreg $0x0  }
0xa8: {  	s4 =	sshll.u32 s28, $0x1;
	[dreg:$0x2] =	wrdreg s2  }
0xa9: {  	[dreg:$0x3] =	wrdreg s4  }
0xaa: {  	[dreg:$0x4] =	wrdreg $0xC0  }
0xab: {  	_ =	task [dreg:s6], $0x5FFFF  }
0xac: {  	[dreg:$0x1] =	wrdreg $0xFFFFFFFF  }
0xad: {  	[dreg:$0x0] =	wrdreg $0x60  }
0xae: {  	[dreg:$0x2] =	wrdreg s24  }
0xaf: {  	[dreg:$0x3] =	wrdreg $0x0  }
0xb0: {  	[dreg:$0x4] =	wrdreg $0x9  }
0xb1: {  	_ =	task.clear_ibuf [dreg:s6], $0x5FFFF;
	_ =	strace $0x9000004F  }
0xb2: {  	s29 =	simm.s32 $0x9;
	_ =	strace $0x80000051  }
0xb3: {  	_ =	swait.ge [sflag:s29], $0x1  }
0xb4: {  	[sflag:s29] =	ssyncadd.s32 $0xFFFFFFFF  }
0xb5: {  	_ =	strace $0x90000051  }
0xb6: {  	_ =	sfence  }
0xb7: {  	s30 =	sld [smem:$0x0];
	_ =	sdelay $0x2  }
0xb8: {  	s31 =	sshll.u32 s1, $0xD;
	s1 =	sshrl.u32 s1, $0x2  }
0xb9: {  	s3 =	sand.u32 $0x4000, s31;
	s1 =	sadd.s32 s1, s30  }
0xba: {  	s0 =	sor.u32 s3, s0;
	s1 =	sshll.u32 s1, $0x11  }
0xbb: {  	s0 =	sor.u32 s1, s0  }
0xbc: {  	s0 =	sadd.s32 $0x8F2B, s0  }
0xbd: {  	[sflag:s0] =	ssyncadd.remote.s32 $0x1  }
0xbe: {  	_ =	sfence.sel $0xFFFF  }
0xbf: {  	[dreg:$0x0] =	wrdreg $0xFFFFFFFF;
	(pc) =	sbr.abs _section_cstart, $3  }
0xc0: {  	[dreg:$0x1] =	wrdreg $0xFFFFFFFF  }
0xc1: {  	_ =	task.clear_ibuf [dreg:s6], $0x2FFFF;
	_ =	strace $0x9FFFFFFF  }
0xc2: {  	(tm) =	ssettm $0x7FFFFFFF  }
0xc3: {  	_ =	shalt  }
tec
execute0_lowered:
.L_overlay_start_1:
0x0: {  	(tag) =	ssettag $0x1  }
0x1: {  	s0 =	rddreg [dreg:$0x0];
	s17 =	stileid.u32  }
0x2: {  	s1 =	srdreg.scid;
	s2 =	rddreg [dreg:$0x1];
	s28 =	simm.s32 $0x1  }
0x3: {  	s29 =	simm.s32 $0x14000;
	s30 =	simm.s32 $0x14080;
	s4 =	smul.u32 $0x2800, s17  }
0x4: {  	s31 =	simm.s32 $0x50;
	s1 =	sand.u32 $0x1, s1;
	s6 =	smul.u32 $0x14000, s17  }
0x5: {  	s3 =	sadd.s32 $0x3600, s0;
	s11 =	sadd.s32 $0x71C00, s0;
	s5 =	ssub.s32 $0x2, s1  }
0x6: {  	s10 =	smul.u32 $0x140000, s1;
	s7 =	sshrl.u32 s5, $0x1;
	s21 =	sadd.s32 $0x5000, s6  }
0x7: {  	s22 =	sadd.s32 $0x7800, s6;
	s23 =	sadd.s32 $0xA000, s6;
	s24 =	sadd.s32 $0xC800, s6  }
0x8: {  	s5 =	ssub.s32 s5, s7;
	s7 =	sor.u32 $0x2800, s6;
	s8 =	sadd.s32 s10, s6  }
0x9: {  	s12 =	sadd.s32 s10, s21;
	s20 =	sadd.s32 s10, s22;
	s25 =	sadd.s32 s10, s23  }
0xa: {  	s26 =	sadd.s32 s10, s24;
	s21 =	sadd.s32 s21, s2;
	s22 =	sadd.s32 s22, s2  }
0xb: {  	s23 =	sadd.s32 s23, s2;
	s24 =	sadd.s32 s24, s2;
	s9 =	sadd.s32 s10, s7  }
0xc: {  	s8 =	sshrl.u32 s8, $0x3;
	s19 =	sshrl.u32 s12, $0x3;
	s14 =	sshrl.u32 s26, $0x3  }
0xd: {  	s26 =	sshll.u32 s17, $0x6;
	s9 =	sshrl.u32 s9, $0x3;
	s8 =	sadd.s32 s11, s8  }
0xe: {  	s15 =	sadd.s32 s11, s14;
	[dreg:$0x3] =	wrdreg s8;
	s18 =	sadd.s32 s11, s9  }
0xf: {  	s8 =	sadd.s32 s11, s19;
	s9 =	sshrl.u32 s25, $0x3;
	[dreg:$0x8] =	wrdreg s15  }
0x10: {  	s25 =	sadd.s32 $0xF000, s6;
	s6 =	sadd.s32 $0x11800, s6;
	s15 =	smul.u32 $0x7D0, s1  }
0x11: {  	s1 =	smul.u32 $0x3E80, s1;
	s19 =	sadd.s32 s4, s0;
	[dreg:$0x4] =	wrdreg s18  }
0x12: {  	s4 =	simm.s32 $0x0;
	[dreg:$0x5] =	wrdreg s8;
	s8 =	sshrl.u32 s20, $0x3  }
0x13: {  	s13 =	sadd.s32 s11, s9;
	s16 =	sadd.s32 s10, s25;
	s10 =	sadd.s32 s10, s6  }
0x14: {  	s18 =	smul.u32 $0x7D00, s17;
	s25 =	sadd.s32 s25, s2;
	s8 =	sadd.s32 s11, s8  }
0x15: {  	[dreg:$0x7] =	wrdreg s13;
	s13 =	smul.u32 $0xFA0, s17;
	s12 =	sshrl.u32 s16, $0x3  }
0x16: {  	s14 =	sshrl.u32 s10, $0x3;
	s16 =	smul.u32 $0x50000, s17;
	s17 =	sadd.s32 $0x49C00, s19  }
0x17: {  	s19 =	smax.u32 s5, $0x1;
	[dreg:$0x6] =	wrdreg s8;
	s10 =	sadd.s32 s11, s12  }
0x18: {  	s11 =	sadd.s32 s11, s14;
	s12 =	simm.s32 $0x0;
	s14 =	sadd.s32 s1, s18  }
0x19: {  	s18 =	sor.u32 $0x1C01, s26;
	s26 =	sadd.s32 s6, s2;
	s1 =	simm.s32 $0x14100  }
0x1a: {  	s13 =	sadd.s32 s13, s3;
	[smem:$0x7FF] =	sst s12;
	s20 =	sshrl.u32 s16, $0x2  }
0x1b: {  	s13 =	sadd.s32 s15, s13;
	_ =	strace $0x80000050;
	s15 =	sadd.s32 $0x22A00, s0  }
0x1c: {  	s16 =	sadd.s32 s20, s2;
	s20 =	sadd.s32 s7, s2;
	s0 =	simm.s32 $0x16900  }
.LBB2_1:
0x1d: {  	s5 =	sshrl.u32 s16, $0x3  }
0x1e: {  	[spmem:s5], [sflag:s18] =	dma.local [hbm:s17], $0x2800  }
0x1f: {  	_ =	swait.ge [sflag:s28], $0x2800  }
0x20: {  	[sflag:s28] =	ssyncset.done $0x0  }
0x21: {  	[sflag:s28] =	ssyncadd.s32 $0xFFFFD800  }
0x22: {  	s8 =	sadd.s32 $0x0, s13;
	s6 =	sand.u32 $0x7FFFFF80, s14;
	[bflag:$0x0] =	sbarrier.arrive $0xFFFF  }
0x23: {  	[tilespmem:s29], [sflag:$0x1] =	stream.linear.gather [hbm4b:s8+s12], $0x80, $0x38;
	[tilespmem:$0x19100] =	vst v63  }
0x24: {  	s9 =	sadd.s32 $0x7D000, s6;
	_ =	swait.ge [sflag:s28], $0x80  }
0x25: {  	s5 =	sshrl.u32 s9, $0x3;
	[sflag:s28] =	ssyncset.done $0x0  }
0x26: {  	s5 =	sadd.s32 s3, s5;
	[sflag:s28] =	ssyncadd.s32 $0xFFFFFF80  }
0x27: {  	[tilespmem:s30], [sflag:$0x1] =	stream.linear.gather [hbm4b:s5+s12], $0x80, $0x38;
	[tilespmem:$0x19100] =	vst v63  }
0x28: {  	_ =	swait.ge [sflag:s28], $0x80  }
0x29: {  	[sflag:s28] =	ssyncset.done $0x0  }
0x2a: {  	[sflag:s28] =	ssyncadd.s32 $0xFFFFFF80  }
0x2b: {  	[tilespmem:s1], [sflag:$0x1] =	stream.indirect.gather [hbm4b:s15+s31], $0x80, s29, s31, $0xb8;
	[tilespmem:$0x19100] =	vst v63  }
0x2c: {  	_ =	swait.ge [sflag:s28], $0x2800  }
0x2d: {  	[sflag:s28] =	ssyncset.done $0x0  }
0x2e: {  	[sflag:s28] =	ssyncadd.s32 $0xFFFFD800  }
0x2f: {  	[spmem:s2] =	stream.indirect.scatter.add.f32 [tilespmem:s1], [sflag:$0x1], $0x80, s30, s31, $0xb8;
	[tilespmem:$0x19100] =	vst v63  }
0x30: {  	s7 =	simm.s32 $0x20;
	_ =	swait.ge [sflag:s28], $0x2800  }
0x31: {  	s6 =	simm.s32 $0x10;
	s5 =	sadd.s32 $0x80, s14;
	[sflag:s28] =	ssyncset.done $0x0  }
.LBB2_2:
0x32: {  	s8 =	sadd.s32 s6, s13  }
0x33: {  	s9 =	sand.u32 $0x7FFFFF80, s5;
	[sflag:s28] =	ssyncadd.s32 $0xFFFFD800;
	s6 =	smov.u32 s7  }
0x34: {  	[tilespmem:s29], [sflag:$0x1] =	stream.linear.gather [hbm4b:s8+s12], $0x80, $0x38;
	[tilespmem:$0x19100] =	vst v63  }
0x35: {  	s8 =	sadd.s32 $0x10, s7;
	s9 =	sadd.s32 $0x7D000, s9;
	_ =	swait.ge [sflag:s28], $0x80  }
0x36: {  	p0 =	sne.s32 s7, $0x7C0;
	s7 =	sshrl.u32 s9, $0x3;
	[sflag:s28] =	ssyncset.done $0x0  }
0x37: {  	s7 =	sadd.s32 s3, s7;
	[sflag:s28] =	ssyncadd.s32 $0xFFFFFF80  }
0x38: {  	[tilespmem:s30], [sflag:$0x1] =	stream.linear.gather [hbm4b:s7+s12], $0x80, $0x38;
	[tilespmem:$0x19100] =	vst v63  }
0x39: {  	_ =	swait.ge [sflag:s28], $0x80  }
0x3a: {  	[sflag:s28] =	ssyncset.done $0x0  }
0x3b: {  	[sflag:s28] =	ssyncadd.s32 $0xFFFFFF80  }
0x3c: {  	[tilespmem:s1], [sflag:$0x1] =	stream.indirect.gather [hbm4b:s15+s31], $0x80, s29, s31, $0xb8;
	[tilespmem:$0x19100] =	vst v63  }
0x3d: {  	_ =	swait.ge [sflag:s28], $0x2800  }
.Ltmp0:
0x3e: {  	[sflag:s28] =	ssyncset.done $0x0;
	(pc) =	sbr.rel @p0 .LBB2_2-.Ltmp0, $4  }
0x3f: {  	[sflag:s28] =	ssyncadd.s32 $0xFFFFD800  }
0x40: {  	[spmem:s2] =	stream.indirect.scatter.add.f32 [tilespmem:s1], [sflag:$0x1], $0x80, s30, s31, $0xb8;
	[tilespmem:$0x19100] =	vst v63  }
0x41: {  	_ =	swait.ge [sflag:s28], $0x2800  }
0x42: {  	s5 =	sadd.s32 $0x80, s5;
	s7 =	smov.u32 s8;
	[sflag:s28] =	ssyncset.done $0x0  }
0x43: {  	s6 =	sadd.s32 s6, s13;
	[sflag:s28] =	ssyncadd.s32 $0xFFFFD800;
	s5 =	sand.u32 $0x7FFFFF80, s5  }
0x44: {  	[tilespmem:s29], [sflag:$0x1] =	stream.linear.gather [hbm4b:s6+s12], $0x80, $0x38;
	[tilespmem:$0x19100] =	vst v63  }
0x45: {  	s5 =	sadd.s32 $0x7D000, s5;
	_ =	swait.ge [sflag:s28], $0x80  }
0x46: {  	s5 =	sshrl.u32 s5, $0x3;
	[sflag:s28] =	ssyncset.done $0x0  }
0x47: {  	s5 =	sadd.s32 s3, s5;
	[sflag:s28] =	ssyncadd.s32 $0xFFFFFF80  }
0x48: {  	[tilespmem:s30], [sflag:$0x1] =	stream.linear.gather [hbm4b:s5+s12], $0x80, $0x38;
	[tilespmem:$0x19100] =	vst v63  }
0x49: {  	_ =	swait.ge [sflag:s28], $0x80  }
0x4a: {  	[sflag:s28] =	ssyncset.done $0x0  }
0x4b: {  	[sflag:s28] =	ssyncadd.s32 $0xFFFFFF80  }
0x4c: {  	[tilespmem:s1], [sflag:$0x1] =	stream.indirect.gather [hbm4b:s15+s31], $0x80, s29, s31, $0xb8;
	[tilespmem:$0x19100] =	vst v63  }
0x4d: {  	_ =	swait.ge [sflag:s28], $0x2800  }
0x4e: {  	[sflag:s28] =	ssyncset.done $0x0  }
0x4f: {  	[sflag:s28] =	ssyncadd.s32 $0xFFFFD800  }
0x50: {  	[spmem:s2] =	stream.indirect.scatter.add.f32 [tilespmem:s1], [sflag:$0x1], $0x80, s30, s31, $0xb8;
	[tilespmem:$0x19100] =	vst v63  }
0x51: {  	_ =	swait.ge [sflag:s28], $0x2800  }
0x52: {  	[sflag:s28] =	ssyncset.done $0x0  }
0x53: {  	[sflag:s28] =	ssyncadd.s32 $0xFFFFD800  }
0x54: {  	[bflag:$0x0] =	sbarrier.arrive $0xFFFF  }
0x55: {  	[tilespmem:s0], [sflag:$0x1] =	stream.linear.gather [spmem:s16], $0x2800, $0x38;
	[tilespmem:$0x19100] =	vst v63  }
0x56: {  	_ =	swait.ge [sflag:s28], $0x2800  }
0x57: {  	[sflag:s28] =	ssyncset.done $0x0  }
0x58: {  	s8 =	rddreg [dreg:$0x3];
	[sflag:s28] =	ssyncadd.s32 $0xFFFFD800  }
0x59: {  	[hbm4b:s8+s12] =	stream.linear.scatter [tilespmem:s0], [sflag:$0x1], $0x2800, $0x38;
	[tilespmem:$0x19100] =	vst v63  }
0x5a: {  	_ =	swait.ge [sflag:s28], $0x2800  }
0x5b: {  	[sflag:s28] =	ssyncset.done $0x0  }
0x5c: {  	[sflag:s28] =	ssyncadd.s32 $0xFFFFD800  }
0x5d: {  	[tilespmem:s0], [sflag:$0x1] =	stream.linear.gather [spmem:s20], $0x2800, $0x38;
	[tilespmem:$0x19100] =	vst v63  }
0x5e: {  	_ =	swait.ge [sflag:s28], $0x2800  }
0x5f: {  	[sflag:s28] =	ssyncset.done $0x0  }
0x60: {  	s9 =	rddreg [dreg:$0x4];
	[sflag:s28] =	ssyncadd.s32 $0xFFFFD800  }
0x61: {  	[hbm4b:s9+s12] =	stream.linear.scatter [tilespmem:s0], [sflag:$0x1], $0x2800, $0x38;
	[tilespmem:$0x19100] =	vst v63  }
0x62: {  	_ =	swait.ge [sflag:s28], $0x2800  }
0x63: {  	[sflag:s28] =	ssyncset.done $0x0  }
0x64: {  	[sflag:s28] =	ssyncadd.s32 $0xFFFFD800  }
0x65: {  	[tilespmem:s0], [sflag:$0x1] =	stream.linear.gather [spmem:s21], $0x2800, $0x38;
	[tilespmem:$0x19100] =	vst v63  }
0x66: {  	_ =	swait.ge [sflag:s28], $0x2800  }
0x67: {  	[sflag:s28] =	ssyncset.done $0x0  }
0x68: {  	s6 =	rddreg [dreg:$0x5];
	[sflag:s28] =	ssyncadd.s32 $0xFFFFD800  }
0x69: {  	[hbm4b:s6+s12] =	stream.linear.scatter [tilespmem:s0], [sflag:$0x1], $0x2800, $0x38;
	[tilespmem:$0x19100] =	vst v63  }
0x6a: {  	_ =	swait.ge [sflag:s28], $0x2800  }
0x6b: {  	[sflag:s28] =	ssyncset.done $0x0  }
0x6c: {  	[sflag:s28] =	ssyncadd.s32 $0xFFFFD800  }
0x6d: {  	[tilespmem:s0], [sflag:$0x1] =	stream.linear.gather [spmem:s22], $0x2800, $0x38;
	[tilespmem:$0x19100] =	vst v63  }
0x6e: {  	_ =	swait.ge [sflag:s28], $0x2800  }
0x6f: {  	[sflag:s28] =	ssyncset.done $0x0  }
0x70: {  	s7 =	rddreg [dreg:$0x6];
	[sflag:s28] =	ssyncadd.s32 $0xFFFFD800  }
0x71: {  	[hbm4b:s7+s12] =	stream.linear.scatter [tilespmem:s0], [sflag:$0x1], $0x2800, $0x38;
	[tilespmem:$0x19100] =	vst v63  }
0x72: {  	_ =	swait.ge [sflag:s28], $0x2800  }
0x73: {  	[sflag:s28] =	ssyncset.done $0x0  }
0x74: {  	[sflag:s28] =	ssyncadd.s32 $0xFFFFD800  }
0x75: {  	[tilespmem:s0], [sflag:$0x1] =	stream.linear.gather [spmem:s23], $0x2800, $0x38;
	[tilespmem:$0x19100] =	vst v63  }
0x76: {  	_ =	swait.ge [sflag:s28], $0x2800  }
0x77: {  	[sflag:s28] =	ssyncset.done $0x0  }
0x78: {  	s8 =	rddreg [dreg:$0x7];
	[sflag:s28] =	ssyncadd.s32 $0xFFFFD800  }
0x79: {  	[hbm4b:s8+s12] =	stream.linear.scatter [tilespmem:s0], [sflag:$0x1], $0x2800, $0x38;
	[tilespmem:$0x19100] =	vst v63  }
0x7a: {  	_ =	swait.ge [sflag:s28], $0x2800  }
0x7b: {  	[sflag:s28] =	ssyncset.done $0x0  }
0x7c: {  	[sflag:s28] =	ssyncadd.s32 $0xFFFFD800  }
0x7d: {  	[tilespmem:s0], [sflag:$0x1] =	stream.linear.gather [spmem:s24], $0x2800, $0x38;
	[tilespmem:$0x19100] =	vst v63  }
0x7e: {  	_ =	swait.ge [sflag:s28], $0x2800  }
0x7f: {  	[sflag:s28] =	ssyncset.done $0x0  }
0x80: {  	s9 =	rddreg [dreg:$0x8];
	[sflag:s28] =	ssyncadd.s32 $0xFFFFD800  }
0x81: {  	[hbm4b:s9+s12] =	stream.linear.scatter [tilespmem:s0], [sflag:$0x1], $0x2800, $0x38;
	[tilespmem:$0x19100] =	vst v63  }
0x82: {  	_ =	swait.ge [sflag:s28], $0x2800  }
0x83: {  	[sflag:s28] =	ssyncset.done $0x0  }
0x84: {  	[sflag:s28] =	ssyncadd.s32 $0xFFFFD800  }
0x85: {  	[tilespmem:s0], [sflag:$0x1] =	stream.linear.gather [spmem:s25], $0x2800, $0x38;
	[tilespmem:$0x19100] =	vst v63  }
0x86: {  	_ =	swait.ge [sflag:s28], $0x2800  }
0x87: {  	[sflag:s28] =	ssyncset.done $0x0  }
0x88: {  	[sflag:s28] =	ssyncadd.s32 $0xFFFFD800  }
0x89: {  	[hbm4b:s10+s12] =	stream.linear.scatter [tilespmem:s0], [sflag:$0x1], $0x2800, $0x38;
	[tilespmem:$0x19100] =	vst v63  }
0x8a: {  	_ =	swait.ge [sflag:s28], $0x2800  }
0x8b: {  	[sflag:s28] =	ssyncset.done $0x0  }
0x8c: {  	[sflag:s28] =	ssyncadd.s32 $0xFFFFD800  }
0x8d: {  	[tilespmem:s0], [sflag:$0x1] =	stream.linear.gather [spmem:s26], $0x2800, $0x38;
	[tilespmem:$0x19100] =	vst v63  }
0x8e: {  	s4 =	sadd.s32 $0x1, s4;
	_ =	swait.ge [sflag:s28], $0x2800  }
0x8f: {  	p0 =	sne.s32 s4, s19;
	[sflag:s28] =	ssyncset.done $0x0  }
.Ltmp1:
0x90: {  	[sflag:s28] =	ssyncadd.s32 $0xFFFFD800;
	(pc) =	sbr.rel @p0 .LBB2_1-.Ltmp1, $4  }
0x91: {  	[hbm4b:s11+s12] =	stream.linear.scatter [tilespmem:s0], [sflag:$0x1], $0x2800, $0x38;
	[tilespmem:$0x19100] =	vst v63  }
0x92: {  	_ =	swait.ge [sflag:s28], $0x2800  }
0x93: {  	[sflag:s28] =	ssyncset.done $0x0  }
0x94: {  	[sflag:s28] =	ssyncadd.s32 $0xFFFFD800  }
0x95: {  	_ =	sfence.sel $0x180000  }
0x96: {  	[bflag:$0x0] =	sbarrier.arrive $0xFFFF  }
0x97: {  	_ =	strace $0x90000050  }
0x98: {  	s0 =	stileid.u32;
	[bflag:$0x2] =	sbarrier.arrive $0xFFFF  }
0x99: {  	p0 =	sne.s32 s0, $0x0;
	s0 =	rddreg [dreg:$0x2]  }
0x9a: {  	s0 =	sadd.s32 @!p0 $0x100000, s0  }
0x9b: {  	[sflag:s0] =	ssyncadd.tile.s32 @!p0 $0x1;
	_ =	shalt  }
.Lfunc_end2:
_tile_overlayer_lowered:
.L_overlay_start_2:
0x9c: {  	(tag) =	ssettag $0x2  }
0x9d: {  	s0 =	rddreg [dreg:$0x0];
	s2 =	stileid.u32  }
0x9e: {  	s1 =	rddreg [dreg:$0x1];
	p0 =	sne.s32 s2, $0x0  }
0x9f: {  	s3 =	rddreg [dreg:$0x2];
	[bflag:$0x3] =	sbarrier.arrive $0xFFFF;
	s2 =	simm.s32 @!p0 $0x1C01  }
0xa0: {  	[timem:s3], [sflag:s2] =	dma.local @!p0 [hbm:s0], s1  }
0xa1: {  	s0 =	simm.s32 @!p0 $0x1  }
0xa2: {  	_ =	swait.ge @!p0 [sflag:s0], s1  }
0xa3: {  	s1 =	ssub.s32 @!p0 $0x0, s1;
	[sflag:s0] =	ssyncset.done @!p0 $0x0  }
0xa4: {  	[sflag:s0] =	ssyncadd.s32 @!p0 s1  }
0xa5: {  	[bflag:$0x3] =	sbarrier.arrive $0xFFFF  }
0xa6: {  	_ =	shalt  }

</sc_bundles>
